<compile_context>
chip_gen: v7x
topology: tpu7x:2x2x1
jax: 0.10.2.dev20260603
libtpu: 0.0.44.dev20260713+nightly
codegen_flags: <defaults>
</compile_context>

<pallas_src>
import functools

import jax
import jax.numpy as jnp
from jax import lax
from jax.experimental import pallas as pl
from jax.experimental.pallas import tpu as pltpu
from jax.experimental.pallas import tpu_sc as plsc

_WR = 1e-6
_DR = 1e-5

_NC = 2
_NS = 16
_NW = _NC * _NS
_CH = 128


def _sc_gather(table, idx, D):
    E = idx.shape[0]
    dt = table.dtype
    nchunk = E // _CH
    per_w = (nchunk + _NW - 1) // _NW
    assert E % _CH == 0
    tc_tiling = (dt == jnp.float32) and (D % 128 == 0)
    mesh = plsc.VectorSubcoreMesh(core_axis_name="c", subcore_axis_name="s")

    @functools.partial(
        pl.kernel,
        out_type=jax.ShapeDtypeStruct((E, D), dt),
        mesh=mesh,
        scratch_types=[
            pltpu.VMEM((_CH,), jnp.int32),
            pltpu.VMEM((_CH, D), dt),
            pltpu.SemaphoreType.DMA,
        ],
        compiler_params=pltpu.CompilerParams(use_tc_tiling_on_sc=tc_tiling),
    )
    def gk(table_hbm, idx_hbm, out_hbm, idx_v, rows_v, sem):
        wid = lax.axis_index("s") * _NC + lax.axis_index("c")

        def body(i, carry):
            c = wid + i * _NW

            @pl.when(c < nchunk)
            def _():
                base = c * _CH
                pltpu.sync_copy(idx_hbm.at[pl.ds(base, _CH)], idx_v)
                pltpu.async_copy(table_hbm.at[idx_v], rows_v, sem).wait()
                pltpu.sync_copy(rows_v, out_hbm.at[pl.ds(base, _CH)])

            return carry

        lax.fori_loop(0, per_w, body, 0)

    return gk(table, idx)


def _proj_body(x_ref, w_ref, b_ref, o_ref):
    o_ref[...] = (
        jnp.dot(x_ref[...].astype(jnp.bfloat16), w_ref[...].astype(jnp.bfloat16),
                preferred_element_type=jnp.float32)
        + b_ref[...]
    )


def _proj(x, w, b):
    n, _ = x.shape
    h = w.shape[1]
    bn = 2000
    return pl.pallas_call(
        _proj_body,
        grid=(n // bn,),
        in_specs=[
            pl.BlockSpec((bn, x.shape[1]), lambda i: (i, 0)),
            pl.BlockSpec(w.shape, lambda i: (0, 0)),
            pl.BlockSpec((1, h), lambda i: (0, 0)),
        ],
        out_specs=pl.BlockSpec((bn, h), lambda i: (i, 0)),
        out_shape=jax.ShapeDtypeStruct((n, h), jnp.float32),
    )(x, w, b.reshape(1, h))


def _combine_body(
    nfa_ref, nfb_ref, fa_ref,
    wa0_ref, wa1_ref, w01_ref, w02_ref, wlei_ref, wnl_ref,
    wb0_ref, wb1_ref, bias_ref,
    fnew_ref, ah_ref, *, bn, kk, h,
):
    dot = lambda x, w: jax.lax.dot_general(
        x, w, (((1,), (0,)), ((), ())), preferred_element_type=jnp.float32,
    )
    nfa = nfa_ref[...]
    nfb = nfb_ref[...]
    fa = fa_ref[...]
    b = bias_ref[...]

    h_a = dot(nfa, wa0_ref[...]) + b[0:1, :]
    h_b = dot(nfb, wb0_ref[...]) + b[1:2, :]
    g_a = dot(nfa, wa1_ref[...]) + b[2:3, :]
    g_b = dot(nfb, wb1_ref[...]) + b[3:4, :]
    g_s = dot(fa, w01_ref[...]) + b[4:5, :]
    g3 = (g_a.reshape(bn, kk, h) + g_b.reshape(bn, kk, h)) + g_s[:, None, :]
    g = jax.nn.sigmoid(g3) * 10.0
    f_nei = jnp.sum(g * h_a.reshape(bn, kk, h) * h_b.reshape(bn, kk, h), axis=1)
    f_self = dot(fa, w02_ref[...]) + b[5:6, :]
    ah_ref[...] = f_nei * f_self

    l_nei = jnp.concatenate([nfa, nfb], axis=1)
    lei = jnp.maximum(dot(l_nei, wlei_ref[...]) + b[6:7, :], 0.0)
    nl = jnp.sum(lei.reshape(bn, kk, h), axis=1)
    cat = jnp.concatenate([fa, nl], axis=1)
    fnew_ref[...] = jnp.maximum(dot(cat, wnl_ref[...]) + b[7:8, :], 0.0)


def _combine(nfa, nfb, fa, ws, bias_stack):
    n, h = fa.shape
    e, bf = nfb.shape
    kk = e // n
    bn = 400
    be = bn * kk
    grid = (n // bn,)
    full = lambda a: pl.BlockSpec(a.shape, lambda i: (0, 0))
    kernel_fn = functools.partial(_combine_body, bn=bn, kk=kk, h=h)
    return pl.pallas_call(
        kernel_fn,
        grid=grid,
        in_specs=[
            pl.BlockSpec((be, h), lambda i: (i, 0)),
            pl.BlockSpec((be, bf), lambda i: (i, 0)),
            pl.BlockSpec((bn, h), lambda i: (i, 0)),
            *[full(w) for w in ws],
            pl.BlockSpec((8, h), lambda i: (0, 0)),
        ],
        out_specs=[
            pl.BlockSpec((bn, h), lambda i: (i, 0)),
            pl.BlockSpec((bn, h), lambda i: (i, 0)),
        ],
        out_shape=[
            jax.ShapeDtypeStruct((n, h), jnp.float32),
            jax.ShapeDtypeStruct((n, h), jnp.float32),
        ],
    )(nfa, nfb, fa, *ws, bias_stack)


def _readout_body(
    ah_ref, gid_ref, u1_ref, u2_ref,
    wo0_ref, bo0_ref, wo1_ref, bo1_ref, wmu_ref, bmu_ref, wlv_ref, blv_ref,
    plog_ref,
    mean_ref, lv_ref, reg_ref, *, nb, nseg,
):
    ah = ah_ref[...]
    gid = gid_ref[...]
    seg = lax.broadcasted_iota(jnp.int32, (nseg, gid.shape[1]), 0)
    oh = (seg == gid).astype(jnp.float32)
    sums = jax.lax.dot_general(
        oh, ah, (((1,), (0,)), ((), ())), preferred_element_type=jnp.float32,
        precision=jax.lax.Precision.HIGHEST,
    )
    counts = jnp.sum(oh, axis=1, keepdims=True)
    mol = sums / jnp.maximum(counts, 1.0)

    eps = 1e-7
    temp = 0.1

    def drop(x, p, unif):
        dp = (
            jnp.log(p + eps) - jnp.log(1.0 - p + eps)
            + jnp.log(unif + eps) - jnp.log(1.0 - unif + eps)
        )
        mask = jax.nn.sigmoid(dp / temp)
        return x * (1.0 - mask) / (1.0 - p)

    p1 = jax.nn.sigmoid(plog_ref[0, 0])
    p2 = jax.nn.sigmoid(plog_ref[1, 0])
    x = drop(mol, p1, u1_ref[...])
    x = jnp.maximum(jnp.dot(x.astype(jnp.bfloat16), wo0_ref[...].astype(jnp.bfloat16), preferred_element_type=jnp.float32) + bo0_ref[...], 0.0)
    x = drop(x, p2, u2_ref[...])
    x = jnp.maximum(jnp.dot(x.astype(jnp.bfloat16), wo1_ref[...].astype(jnp.bfloat16), preferred_element_type=jnp.float32) + bo1_ref[...], 0.0)
    mean_ref[...] = jnp.dot(x.astype(jnp.bfloat16), wmu_ref[...].astype(jnp.bfloat16), preferred_element_type=jnp.float32) + bmu_ref[...]
    lv_ref[...] = jnp.dot(x.astype(jnp.bfloat16), wlv_ref[...].astype(jnp.bfloat16), preferred_element_type=jnp.float32) + blv_ref[...]

    d_in = jnp.float32(wo0_ref.shape[0])
    reg1 = (
        _WR * (jnp.sum(wo0_ref[...] ** 2) + jnp.sum(bo0_ref[...] ** 2)) / (1.0 - p1)
        + _DR * d_in * (p1 * jnp.log(p1) + (1.0 - p1) * jnp.log(1.0 - p1))
    )
    d_in2 = jnp.float32(wo1_ref.shape[0])
    reg2 = (
        _WR * (jnp.sum(wo1_ref[...] ** 2) + jnp.sum(bo1_ref[...] ** 2)) / (1.0 - p2)
        + _DR * d_in2 * (p2 * jnp.log(p2) + (1.0 - p2) * jnp.log(1.0 - p2))
    )
    reg_ref[...] = jnp.full((1, 1), reg1 + reg2, jnp.float32)


def _readout(ah, gid_row, u1, u2, p):
    n, h = ah.shape
    nseg = u1.shape[0]
    r = p["Wo0"].shape[1]
    plog = jnp.stack([p["plog1"], p["plog2"]]).reshape(2, 1)
    args = [
        ah, gid_row, u1, u2,
        p["Wo0"], p["bo0"].reshape(1, r), p["Wo1"], p["bo1"].reshape(1, r),
        p["Wmu"], p["bmu"].reshape(1, 1), p["Wlv"], p["blv"].reshape(1, 1),
        plog,
    ]
    full = lambda a: pl.BlockSpec(a.shape, lambda: (0, 0))
    kernel_fn = functools.partial(_readout_body, nb=n, nseg=nseg)
    return pl.pallas_call(
        kernel_fn,
        in_specs=[full(a) for a in args],
        out_specs=[
            pl.BlockSpec((nseg, 1), lambda: (0, 0)),
            pl.BlockSpec((nseg, 1), lambda: (0, 0)),
            pl.BlockSpec((1, 1), lambda: (0, 0)),
        ],
        out_shape=[
            jax.ShapeDtypeStruct((nseg, 1), jnp.float32),
            jax.ShapeDtypeStruct((nseg, 1), jnp.float32),
            jax.ShapeDtypeStruct((1, 1), jnp.float32),
        ],
    )(*args)


def kernel(atom_features, f_bonds, a2a, a2b, graph_ids, params):
    p = params
    n, _ = atom_features.shape
    e, bf = f_bonds.shape
    kk = a2a.shape[1]
    h = p["W00"].shape[1]
    depth = 3
    nseg = 64

    a2a_f = a2a.reshape(-1).astype(jnp.int32)
    a2b_f = a2b.reshape(-1).astype(jnp.int32)

    bias_stack = jnp.stack([
        p["ba0"], p["bb0"], p["ba1"], p["bb1"],
        p["b01"], p["b02"], p["blei"], p["bnl"],
    ])
    ws = [
        p["Wa0"], p["Wa1"], p["W01"], p["W02"],
        p["Wlei"], p["Wnl"], p["Wb0"], p["Wb1"],
    ]

    f_atoms = _proj(atom_features, p["W00"], p["b00"])
    nfb = _sc_gather(f_bonds, a2b_f, bf)
    ah = f_atoms
    for _ in range(depth):
        nfa = _sc_gather(f_atoms, a2a_f, h)
        f_atoms, ah = _combine(nfa, nfb, f_atoms, ws, bias_stack)

    kd = jax.random.key(42)
    u1 = jax.random.uniform(jax.random.fold_in(kd, 1), (nseg, 1), dtype=jnp.float32)
    u2 = jax.random.uniform(jax.random.fold_in(kd, 2), (nseg, 1), dtype=jnp.float32)
    gid_row = graph_ids.reshape(1, n).astype(jnp.int32)

    mean, log_var, reg = _readout(ah, gid_row, u1, u2, p)
    return mean, log_var, reg[0, 0]

# --- scband reference (transcript-rebuilt; emitter-appended) ---
"""Pipeline reference for scband-wlkernel-dropout-21002390078201 (READ-ONLY COPY).

The authoritative reference and input builder live on the scoring server;
editing this copy changes nothing except your own understanding.
"""

import jax, jax.numpy as jnp
import numpy as np

N = 10000; K = 16; E = 160000; AF = 128; BF = 16; H = 128; R = 128; B = 64; DEPTH = 3
WR = 1e-6; DR = 1e-5

def _lin(x, W, b):
    return x @ W + b

def _concrete_dropout(x, p_logit, key):
    eps = 1e-7; temp = 0.1
    p = jax.nn.sigmoid(p_logit)
    unif = jax.random.uniform(key, (x.shape[0], 1), dtype=jnp.float32)
    dp = (jnp.log(p + eps) - jnp.log(1.0 - p + eps) + jnp.log(unif + eps) - jnp.log(1.0 - unif + eps))
    mask = jax.nn.sigmoid(dp / temp)
    return x * (1.0 - mask) / (1.0 - p), p

def _reg(W, b, p, d_in):
    ws = WR * (jnp.sum(W * W) + jnp.sum(b * b)) / (1.0 - p)
    dr = DR * d_in * (p * jnp.log(p) + (1.0 - p) * jnp.log(1.0 - p))
    return ws + dr

def _forward(atom_features, f_bonds, params, a2a, a2b, graph_ids):
    f_atoms = _lin(atom_features, params["W00"], params["b00"])
    atom_hiddens = f_atoms
    for _ in range(DEPTH):
        nei_fa = f_atoms[a2a]
        nei_fb = f_bonds[a2b]
        h_a = _lin(nei_fa, params["Wa0"], params["ba0"])
        h_b = _lin(nei_fb, params["Wb0"], params["bb0"])
        g_a = _lin(nei_fa, params["Wa1"], params["ba1"])
        g_b = _lin(nei_fb, params["Wb1"], params["bb1"])
        g_s = _lin(f_atoms, params["W01"], params["b01"])[:, None, :]
        g = jax.nn.sigmoid(g_a + g_b + g_s) * 10.0
        f_nei = jnp.sum(g * h_a * h_b, axis=-2)
        f_self = _lin(f_atoms, params["W02"], params["b02"])
        atom_hiddens = f_nei * f_self
        l_nei = jnp.concatenate([nei_fa, nei_fb], axis=-1)
        nl = jnp.sum(jax.nn.relu(_lin(l_nei, params["Wlei"], params["blei"])), axis=-2)
        f_atoms = jax.nn.relu(_lin(jnp.concatenate([f_atoms, nl], axis=-1), params["Wnl"], params["bnl"]))
    sums = jax.ops.segment_sum(atom_hiddens, graph_ids, num_segments=B)
    counts = jax.ops.segment_sum(jnp.ones((atom_hiddens.shape[0],), jnp.float32), graph_ids, num_segments=B)
    mol_vecs = sums / jnp.maximum(counts, 1.0)[:, None]
    kd = jax.random.key(42)
    x, p1 = _concrete_dropout(mol_vecs, params["plog1"], jax.random.fold_in(kd, 1))
    reg1 = _reg(params["Wo0"], params["bo0"], p1, x.shape[1])
    x = jax.nn.relu(_lin(x, params["Wo0"], params["bo0"]))
    x, p2 = _concrete_dropout(x, params["plog2"], jax.random.fold_in(kd, 2))
    reg2 = _reg(params["Wo1"], params["bo1"], p2, x.shape[1])
    x = jax.nn.relu(_lin(x, params["Wo1"], params["bo1"]))
    mean = _lin(x, params["Wmu"], params["bmu"])
    log_var = _lin(x, params["Wlv"], params["blv"])
    return mean, log_var, reg1 + reg2

def setup_inputs(seed: int = 0):
    key = jax.random.key(seed)
    ks = jax.random.split(key, 40)
    def gw(k, fi, fo):
        s = 1.0 / np.sqrt(fi)
        return jax.random.uniform(k, (fi, fo), jnp.float32, -s, s)
    def gb(k, fi, fo):
        s = 1.0 / np.sqrt(fi)
        return jax.random.uniform(k, (fo,), jnp.float32, -s, s)
    params = {
        "W00": gw(ks[0], AF, H), "b00": gb(ks[1], AF, H),
        "W01": gw(ks[2], H, H), "b01": gb(ks[3], H, H),
        "W02": gw(ks[4], H, H), "b02": gb(ks[5], H, H),
        "Wa0": gw(ks[6], H, H), "ba0": gb(ks[7], H, H),
        "Wb0": gw(ks[8], BF, H), "bb0": gb(ks[9], BF, H),
        "Wa1": gw(ks[10], H, H), "ba1": gb(ks[11], H, H),
        "Wb1": gw(ks[12], BF, H), "bb1": gb(ks[13], BF, H),
        "Wlei": gw(ks[14], H + BF, H), "blei": gb(ks[15], H + BF, H),
        "Wnl": gw(ks[16], 2 * H, H), "bnl": gb(ks[17], 2 * H, H),
        "Wo0": gw(ks[18], H, R), "bo0": gb(ks[19], H, R),
        "Wo1": gw(ks[20], R, R), "bo1": gb(ks[21], R, R),
        "Wmu": gw(ks[22], R, 1), "bmu": gb(ks[23], R, 1),
        "Wlv": gw(ks[24], R, 1), "blv": gb(ks[25], R, 1),
        "plog1": jnp.float32(-2.0), "plog2": jnp.float32(-2.0),
    }
    return {
        "atom_features": jax.random.normal(ks[26], (N, AF), jnp.float32),
        "f_bonds": jax.random.normal(ks[27], (E, BF), jnp.float32),
        "a2a": jax.random.randint(ks[28], (N, K), 0, N),
        "a2b": jax.random.randint(ks[29], (N, K), 0, E),
        "graph_ids": jnp.sort(jax.random.randint(ks[30], (N,), 0, B)),
        "params": params,
    }

def reference(atom_features, f_bonds, a2a, a2b, graph_ids, params):
    return _forward(atom_features, f_bonds, params, a2a, a2b, graph_ids)

if __name__ == "__main__":
    import jax
    _d = setup_inputs()
    print(jax.jit(kernel)(*tuple(_d.values())))

</pallas_src>

<mosaic_0001>
#map = affine_map<(d0, d1) -> (0, 0)>
#map1 = affine_map<(d0, d1) -> (0)>
module attributes {stable_mosaic.version = 14 : i64} {
  func.func @gk(%arg0: i32, %arg1: i32, %arg2: memref<10000x128xf32, #tpu.memory_space<hbm>>, %arg3: memref<160000xi32, #tpu.memory_space<hbm>>, %arg4: memref<160000x128xf32, #tpu.memory_space<hbm>>, %arg5: memref<128xi32, #tpu.memory_space<vmem>>, %arg6: memref<128x128xf32, #tpu.memory_space<vmem>>, %arg7: memref<!tpu.dma_semaphore, #tpu.memory_space<semaphore_mem>>) attributes {dimension_semantics = [#tpu.dimension_semantics<core_parallel>, #tpu.dimension_semantics<subcore_parallel>], iteration_bounds = array<i64: 2, 16>, scalar_prefetch = 0 : i64, scratch_operands = 3 : i64, tpu.core_type = #tpu.core_type<sc_vector_subcore>, window_params = [{transform_indices = #map}, {transform_indices = #map1}, {transform_indices = #map}]} {
    %mul3A = arith.constant 2 : i32
    %mul3A_0 = arith.muli %arg1, %mul3A : i32
    %add3A = arith.addi %mul3A_0, %arg0 : i32
    %scan3A = arith.constant 0 : i32
    %scan3A_1 = arith.constant 0 : i32
    %scan3A_2 = arith.constant 40 : i32
    %scan3A_3 = arith.addi %scan3A_1, %scan3A_2 : i32
    %scan3A_4 = arith.constant 1 : i32
    scf.for %scan3A_6 = %scan3A_1 to %scan3A_3 step %scan3A_4  : i32 {
      %mul3A_7 = arith.constant 32 : i32
      %mul3A_8 = arith.muli %scan3A_6, %mul3A_7 : i32
      %add3A_9 = arith.addi %add3A, %mul3A_8 : i32
      %lt3A = arith.constant 1250 : i32
      %lt3A_10 = arith.cmpi slt, %add3A_9, %lt3A : i32
      %convert_element_type3A = arith.extui %lt3A_10 : i1 to i32
      %cond3A = arith.constant 0 : i32
      %cond3A_11 = arith.cmpi ne, %convert_element_type3A, %cond3A : i32
      scf.if %cond3A_11 {
        %mul3A_12 = arith.constant 128 : i32
        %mul3A_13 = arith.muli %add3A_9, %mul3A_12 : i32
        "tpu.region"() ({
          %run_scoped3A = tpu.sem_alloc : memref<!tpu.dma_semaphore, #tpu.memory_space<semaphore_mem>>
          %dma_start3A_18 = tpu.memref_slice %arg3[%mul3A_13] : memref<160000xi32, #tpu.memory_space<hbm>> -> memref<128xi32, #tpu.memory_space<hbm>>
          %dma_start3A_19 = tpu.memref_slice %arg3[%mul3A_13] : memref<160000xi32, #tpu.memory_space<hbm>> -> memref<128xi32, #tpu.memory_space<hbm>>
          tpu.enqueue_dma source(%dma_start3A_19 : memref<128xi32, #tpu.memory_space<hbm>>) target(%arg5 : memref<128xi32, #tpu.memory_space<vmem>>) target_semaphore(%run_scoped3A : memref<!tpu.dma_semaphore, #tpu.memory_space<semaphore_mem>>)
          %dma_wait3A_20 = tpu.memref_slice %arg3[%mul3A_13] : memref<160000xi32, #tpu.memory_space<hbm>> -> memref<128xi32, #tpu.memory_space<hbm>>
          %dma_wait3A_21 = tpu.memref_slice %arg3[%mul3A_13] : memref<160000xi32, #tpu.memory_space<hbm>> -> memref<128xi32, #tpu.memory_space<hbm>>
          tpu.wait_dma2 semaphore(%run_scoped3A : memref<!tpu.dma_semaphore, #tpu.memory_space<semaphore_mem>>) src(%dma_wait3A_21 : memref<128xi32, #tpu.memory_space<hbm>>) dst(%arg5 : memref<128xi32, #tpu.memory_space<vmem>>)
          tpu.yield
        }) : () -> ()
        %dma_start3A = arith.constant 0 : i32
        %dma_start3A_14 = arith.constant 0 : i32
        %dma_start3A_15 = tpu.memref_slice %arg2[%dma_start3A, %dma_start3A_14] : memref<10000x128xf32, #tpu.memory_space<hbm>> -> memref<10000x128xf32, #tpu.memory_space<hbm>>
        tpu.enqueue_indirect_dma source(%dma_start3A_15 : memref<10000x128xf32, #tpu.memory_space<hbm>>) target(%arg6 : memref<128x128xf32, #tpu.memory_space<vmem>>) offsets(%arg5 : memref<128xi32, #tpu.memory_space<vmem>>) semaphore(%arg7 : memref<!tpu.dma_semaphore, #tpu.memory_space<semaphore_mem>>)
        %dma_wait3A = arith.constant 0 : i32
        %dma_wait3A_16 = arith.constant 0 : i32
        %dma_wait3A_17 = tpu.memref_slice %arg2[%dma_wait3A, %dma_wait3A_16] : memref<10000x128xf32, #tpu.memory_space<hbm>> -> memref<10000x128xf32, #tpu.memory_space<hbm>>
        tpu.wait_indirect_dma semaphore(%arg7 : memref<!tpu.dma_semaphore, #tpu.memory_space<semaphore_mem>>) src(%dma_wait3A_17 : memref<10000x128xf32, #tpu.memory_space<hbm>>) dst(%arg6 : memref<128x128xf32, #tpu.memory_space<vmem>>)
        "tpu.region"() ({
          %run_scoped3A = tpu.sem_alloc : memref<!tpu.dma_semaphore, #tpu.memory_space<semaphore_mem>>
          %dma_start3A_18 = arith.constant 0 : i32
          %dma_start3A_19 = tpu.memref_slice %arg4[%mul3A_13, %dma_start3A_18] : memref<160000x128xf32, #tpu.memory_space<hbm>> -> memref<128x128xf32, #tpu.memory_space<hbm>>
          %dma_start3A_20 = arith.constant 0 : i32
          %dma_start3A_21 = tpu.memref_slice %arg4[%mul3A_13, %dma_start3A_20] : memref<160000x128xf32, #tpu.memory_space<hbm>> -> memref<128x128xf32, #tpu.memory_space<hbm>>
          tpu.enqueue_dma source(%arg6 : memref<128x128xf32, #tpu.memory_space<vmem>>) target(%dma_start3A_21 : memref<128x128xf32, #tpu.memory_space<hbm>>) target_semaphore(%run_scoped3A : memref<!tpu.dma_semaphore, #tpu.memory_space<semaphore_mem>>)
          %dma_wait3A_22 = arith.constant 0 : i32
          %dma_wait3A_23 = tpu.memref_slice %arg4[%mul3A_13, %dma_wait3A_22] : memref<160000x128xf32, #tpu.memory_space<hbm>> -> memref<128x128xf32, #tpu.memory_space<hbm>>
          %dma_wait3A_24 = arith.constant 0 : i32
          %dma_wait3A_25 = tpu.memref_slice %arg4[%mul3A_13, %dma_wait3A_24] : memref<160000x128xf32, #tpu.memory_space<hbm>> -> memref<128x128xf32, #tpu.memory_space<hbm>>
          tpu.wait_dma2 semaphore(%run_scoped3A : memref<!tpu.dma_semaphore, #tpu.memory_space<semaphore_mem>>) src(%arg6 : memref<128x128xf32, #tpu.memory_space<vmem>>) dst(%dma_wait3A_25 : memref<128x128xf32, #tpu.memory_space<hbm>>)
          tpu.yield
        }) : () -> ()
      } else {
      }
    }
    %scan3A_5 = arith.constant 40 : i32
    return
  }
}

#map = affine_map<(d0, d1) -> (0, 0)>
#map1 = affine_map<(d0, d1) -> (0)>
module attributes {stable_mosaic.version = 14 : i64} {
  func.func @gk(%arg0: i32, %arg1: i32, %arg2: memref<10000x128xf32, #tpu.memory_space<hbm>>, %arg3: memref<160000xi32, #tpu.memory_space<hbm>>, %arg4: memref<160000x128xf32, #tpu.memory_space<hbm>>, %arg5: memref<128xi32, #tpu.memory_space<vmem>>, %arg6: memref<128x128xf32, #tpu.memory_space<vmem>>, %arg7: memref<!tpu.dma_semaphore, #tpu.memory_space<semaphore_mem>>) attributes {dimension_semantics = [#tpu.dimension_semantics<core_parallel>, #tpu.dimension_semantics<subcore_parallel>], iteration_bounds = array<i64: 2, 16>, scalar_prefetch = 0 : i64, scratch_operands = 3 : i64, tpu.core_type = #tpu.core_type<sc_vector_subcore>, window_params = [{transform_indices = #map}, {transform_indices = #map1}, {transform_indices = #map}]} {
    %mul3A = arith.constant 2 : i32
    %mul3A_0 = arith.muli %arg1, %mul3A : i32
    %add3A = arith.addi %mul3A_0, %arg0 : i32
    %scan3A = arith.constant 0 : i32
    %scan3A_1 = arith.constant 0 : i32
    %scan3A_2 = arith.constant 40 : i32
    %scan3A_3 = arith.addi %scan3A_1, %scan3A_2 : i32
    %scan3A_4 = arith.constant 1 : i32
    scf.for %scan3A_6 = %scan3A_1 to %scan3A_3 step %scan3A_4  : i32 {
      %mul3A_7 = arith.constant 32 : i32
      %mul3A_8 = arith.muli %scan3A_6, %mul3A_7 : i32
      %add3A_9 = arith.addi %add3A, %mul3A_8 : i32
      %lt3A = arith.constant 1250 : i32
      %lt3A_10 = arith.cmpi slt, %add3A_9, %lt3A : i32
      %convert_element_type3A = arith.extui %lt3A_10 : i1 to i32
      %cond3A = arith.constant 0 : i32
      %cond3A_11 = arith.cmpi ne, %convert_element_type3A, %cond3A : i32
      scf.if %cond3A_11 {
        %mul3A_12 = arith.constant 128 : i32
        %mul3A_13 = arith.muli %add3A_9, %mul3A_12 : i32
        "tpu.region"() ({
          %run_scoped3A = tpu.sem_alloc : memref<!tpu.dma_semaphore, #tpu.memory_space<semaphore_mem>>
          %dma_start3A_18 = tpu.memref_slice %arg3[%mul3A_13] : memref<160000xi32, #tpu.memory_space<hbm>> -> memref<128xi32, #tpu.memory_space<hbm>>
          %dma_start3A_19 = tpu.memref_slice %arg3[%mul3A_13] : memref<160000xi32, #tpu.memory_space<hbm>> -> memref<128xi32, #tpu.memory_space<hbm>>
          tpu.enqueue_dma source(%dma_start3A_19 : memref<128xi32, #tpu.memory_space<hbm>>) target(%arg5 : memref<128xi32, #tpu.memory_space<vmem>>) target_semaphore(%run_scoped3A : memref<!tpu.dma_semaphore, #tpu.memory_space<semaphore_mem>>)
          %dma_wait3A_20 = tpu.memref_slice %arg3[%mul3A_13] : memref<160000xi32, #tpu.memory_space<hbm>> -> memref<128xi32, #tpu.memory_space<hbm>>
          %dma_wait3A_21 = tpu.memref_slice %arg3[%mul3A_13] : memref<160000xi32, #tpu.memory_space<hbm>> -> memref<128xi32, #tpu.memory_space<hbm>>
          tpu.wait_dma2 semaphore(%run_scoped3A : memref<!tpu.dma_semaphore, #tpu.memory_space<semaphore_mem>>) src(%dma_wait3A_21 : memref<128xi32, #tpu.memory_space<hbm>>) dst(%arg5 : memref<128xi32, #tpu.memory_space<vmem>>)
          tpu.yield
        }) : () -> ()
        %dma_start3A = arith.constant 0 : i32
        %dma_start3A_14 = arith.constant 0 : i32
        %dma_start3A_15 = tpu.memref_slice %arg2[%dma_start3A, %dma_start3A_14] : memref<10000x128xf32, #tpu.memory_space<hbm>> -> memref<10000x128xf32, #tpu.memory_space<hbm>>
        tpu.enqueue_indirect_dma source(%dma_start3A_15 : memref<10000x128xf32, #tpu.memory_space<hbm>>) target(%arg6 : memref<128x128xf32, #tpu.memory_space<vmem>>) offsets(%arg5 : memref<128xi32, #tpu.memory_space<vmem>>) semaphore(%arg7 : memref<!tpu.dma_semaphore, #tpu.memory_space<semaphore_mem>>)
        %dma_wait3A = arith.constant 0 : i32
        %dma_wait3A_16 = arith.constant 0 : i32
        %dma_wait3A_17 = tpu.memref_slice %arg2[%dma_wait3A, %dma_wait3A_16] : memref<10000x128xf32, #tpu.memory_space<hbm>> -> memref<10000x128xf32, #tpu.memory_space<hbm>>
        tpu.wait_indirect_dma semaphore(%arg7 : memref<!tpu.dma_semaphore, #tpu.memory_space<semaphore_mem>>) src(%dma_wait3A_17 : memref<10000x128xf32, #tpu.memory_space<hbm>>) dst(%arg6 : memref<128x128xf32, #tpu.memory_space<vmem>>)
        "tpu.region"() ({
          %run_scoped3A = tpu.sem_alloc : memref<!tpu.dma_semaphore, #tpu.memory_space<semaphore_mem>>
          %dma_start3A_18 = arith.constant 0 : i32
          %dma_start3A_19 = tpu.memref_slice %arg4[%mul3A_13, %dma_start3A_18] : memref<160000x128xf32, #tpu.memory_space<hbm>> -> memref<128x128xf32, #tpu.memory_space<hbm>>
          %dma_start3A_20 = arith.constant 0 : i32
          %dma_start3A_21 = tpu.memref_slice %arg4[%mul3A_13, %dma_start3A_20] : memref<160000x128xf32, #tpu.memory_space<hbm>> -> memref<128x128xf32, #tpu.memory_space<hbm>>
          tpu.enqueue_dma source(%arg6 : memref<128x128xf32, #tpu.memory_space<vmem>>) target(%dma_start3A_21 : memref<128x128xf32, #tpu.memory_space<hbm>>) target_semaphore(%run_scoped3A : memref<!tpu.dma_semaphore, #tpu.memory_space<semaphore_mem>>)
          %dma_wait3A_22 = arith.constant 0 : i32
          %dma_wait3A_23 = tpu.memref_slice %arg4[%mul3A_13, %dma_wait3A_22] : memref<160000x128xf32, #tpu.memory_space<hbm>> -> memref<128x128xf32, #tpu.memory_space<hbm>>
          %dma_wait3A_24 = arith.constant 0 : i32
          %dma_wait3A_25 = tpu.memref_slice %arg4[%mul3A_13, %dma_wait3A_24] : memref<160000x128xf32, #tpu.memory_space<hbm>> -> memref<128x128xf32, #tpu.memory_space<hbm>>
          tpu.wait_dma2 semaphore(%run_scoped3A : memref<!tpu.dma_semaphore, #tpu.memory_space<semaphore_mem>>) src(%arg6 : memref<128x128xf32, #tpu.memory_space<vmem>>) dst(%dma_wait3A_25 : memref<128x128xf32, #tpu.memory_space<hbm>>)
          tpu.yield
        }) : () -> ()
      } else {
      }
    }
    %scan3A_5 = arith.constant 40 : i32
    return
  }
}

#map = affine_map<(d0, d1) -> (0, 0)>
#map1 = affine_map<(d0, d1) -> (0)>
module attributes {stable_mosaic.version = 14 : i64} {
  func.func @gk(%arg0: i32, %arg1: i32, %arg2: memref<160000x16xf32, #tpu.memory_space<hbm>>, %arg3: memref<160000xi32, #tpu.memory_space<hbm>>, %arg4: memref<160000x16xf32, #tpu.memory_space<hbm>>, %arg5: memref<128xi32, #tpu.memory_space<vmem>>, %arg6: memref<128x16xf32, #tpu.memory_space<vmem>>, %arg7: memref<!tpu.dma_semaphore, #tpu.memory_space<semaphore_mem>>) attributes {dimension_semantics = [#tpu.dimension_semantics<core_parallel>, #tpu.dimension_semantics<subcore_parallel>], iteration_bounds = array<i64: 2, 16>, scalar_prefetch = 0 : i64, scratch_operands = 3 : i64, tpu.core_type = #tpu.core_type<sc_vector_subcore>, window_params = [{transform_indices = #map}, {transform_indices = #map1}, {transform_indices = #map}]} {
    %mul3A = arith.constant 2 : i32
    %mul3A_0 = arith.muli %arg1, %mul3A : i32
    %add3A = arith.addi %mul3A_0, %arg0 : i32
    %scan3A = arith.constant 0 : i32
    %scan3A_1 = arith.constant 0 : i32
    %scan3A_2 = arith.constant 40 : i32
    %scan3A_3 = arith.addi %scan3A_1, %scan3A_2 : i32
    %scan3A_4 = arith.constant 1 : i32
    scf.for %scan3A_6 = %scan3A_1 to %scan3A_3 step %scan3A_4  : i32 {
      %mul3A_7 = arith.constant 32 : i32
      %mul3A_8 = arith.muli %scan3A_6, %mul3A_7 : i32
      %add3A_9 = arith.addi %add3A, %mul3A_8 : i32
      %lt3A = arith.constant 1250 : i32
      %lt3A_10 = arith.cmpi slt, %add3A_9, %lt3A : i32
      %convert_element_type3A = arith.extui %lt3A_10 : i1 to i32
      %cond3A = arith.constant 0 : i32
      %cond3A_11 = arith.cmpi ne, %convert_element_type3A, %cond3A : i32
      scf.if %cond3A_11 {
        %mul3A_12 = arith.constant 128 : i32
        %mul3A_13 = arith.muli %add3A_9, %mul3A_12 : i32
        "tpu.region"() ({
          %run_scoped3A = tpu.sem_alloc : memref<!tpu.dma_semaphore, #tpu.memory_space<semaphore_mem>>
          %dma_start3A_18 = tpu.memref_slice %arg3[%mul3A_13] : memref<160000xi32, #tpu.memory_space<hbm>> -> memref<128xi32, #tpu.memory_space<hbm>>
          %dma_start3A_19 = tpu.memref_slice %arg3[%mul3A_13] : memref<160000xi32, #tpu.memory_space<hbm>> -> memref<128xi32, #tpu.memory_space<hbm>>
          tpu.enqueue_dma source(%dma_start3A_19 : memref<128xi32, #tpu.memory_space<hbm>>) target(%arg5 : memref<128xi32, #tpu.memory_space<vmem>>) target_semaphore(%run_scoped3A : memref<!tpu.dma_semaphore, #tpu.memory_space<semaphore_mem>>)
          %dma_wait3A_20 = tpu.memref_slice %arg3[%mul3A_13] : memref<160000xi32, #tpu.memory_space<hbm>> -> memref<128xi32, #tpu.memory_space<hbm>>
          %dma_wait3A_21 = tpu.memref_slice %arg3[%mul3A_13] : memref<160000xi32, #tpu.memory_space<hbm>> -> memref<128xi32, #tpu.memory_space<hbm>>
          tpu.wait_dma2 semaphore(%run_scoped3A : memref<!tpu.dma_semaphore, #tpu.memory_space<semaphore_mem>>) src(%dma_wait3A_21 : memref<128xi32, #tpu.memory_space<hbm>>) dst(%arg5 : memref<128xi32, #tpu.memory_space<vmem>>)
          tpu.yield
        }) : () -> ()
        %dma_start3A = arith.constant 0 : i32
        %dma_start3A_14 = arith.constant 0 : i32
        %dma_start3A_15 = tpu.memref_slice %arg2[%dma_start3A, %dma_start3A_14] : memref<160000x16xf32, #tpu.memory_space<hbm>> -> memref<160000x16xf32, #tpu.memory_space<hbm>>
        tpu.enqueue_indirect_dma source(%dma_start3A_15 : memref<160000x16xf32, #tpu.memory_space<hbm>>) target(%arg6 : memref<128x16xf32, #tpu.memory_space<vmem>>) offsets(%arg5 : memref<128xi32, #tpu.memory_space<vmem>>) semaphore(%arg7 : memref<!tpu.dma_semaphore, #tpu.memory_space<semaphore_mem>>)
        %dma_wait3A = arith.constant 0 : i32
        %dma_wait3A_16 = arith.constant 0 : i32
        %dma_wait3A_17 = tpu.memref_slice %arg2[%dma_wait3A, %dma_wait3A_16] : memref<160000x16xf32, #tpu.memory_space<hbm>> -> memref<160000x16xf32, #tpu.memory_space<hbm>>
        tpu.wait_indirect_dma semaphore(%arg7 : memref<!tpu.dma_semaphore, #tpu.memory_space<semaphore_mem>>) src(%dma_wait3A_17 : memref<160000x16xf32, #tpu.memory_space<hbm>>) dst(%arg6 : memref<128x16xf32, #tpu.memory_space<vmem>>)
        "tpu.region"() ({
          %run_scoped3A = tpu.sem_alloc : memref<!tpu.dma_semaphore, #tpu.memory_space<semaphore_mem>>
          %dma_start3A_18 = arith.constant 0 : i32
          %dma_start3A_19 = tpu.memref_slice %arg4[%mul3A_13, %dma_start3A_18] : memref<160000x16xf32, #tpu.memory_space<hbm>> -> memref<128x16xf32, #tpu.memory_space<hbm>>
          %dma_start3A_20 = arith.constant 0 : i32
          %dma_start3A_21 = tpu.memref_slice %arg4[%mul3A_13, %dma_start3A_20] : memref<160000x16xf32, #tpu.memory_space<hbm>> -> memref<128x16xf32, #tpu.memory_space<hbm>>
          tpu.enqueue_dma source(%arg6 : memref<128x16xf32, #tpu.memory_space<vmem>>) target(%dma_start3A_21 : memref<128x16xf32, #tpu.memory_space<hbm>>) target_semaphore(%run_scoped3A : memref<!tpu.dma_semaphore, #tpu.memory_space<semaphore_mem>>)
          %dma_wait3A_22 = arith.constant 0 : i32
          %dma_wait3A_23 = tpu.memref_slice %arg4[%mul3A_13, %dma_wait3A_22] : memref<160000x16xf32, #tpu.memory_space<hbm>> -> memref<128x16xf32, #tpu.memory_space<hbm>>
          %dma_wait3A_24 = arith.constant 0 : i32
          %dma_wait3A_25 = tpu.memref_slice %arg4[%mul3A_13, %dma_wait3A_24] : memref<160000x16xf32, #tpu.memory_space<hbm>> -> memref<128x16xf32, #tpu.memory_space<hbm>>
          tpu.wait_dma2 semaphore(%run_scoped3A : memref<!tpu.dma_semaphore, #tpu.memory_space<semaphore_mem>>) src(%arg6 : memref<128x16xf32, #tpu.memory_space<vmem>>) dst(%dma_wait3A_25 : memref<128x16xf32, #tpu.memory_space<hbm>>)
          tpu.yield
        }) : () -> ()
      } else {
      }
    }
    %scan3A_5 = arith.constant 40 : i32
    return
  }
}

#map = affine_map<(d0, d1) -> (0, 0)>
#map1 = affine_map<(d0, d1) -> (0)>
module attributes {stable_mosaic.version = 14 : i64} {
  func.func @gk(%arg0: i32, %arg1: i32, %arg2: memref<10000x128xf32, #tpu.memory_space<hbm>>, %arg3: memref<160000xi32, #tpu.memory_space<hbm>>, %arg4: memref<160000x128xf32, #tpu.memory_space<hbm>>, %arg5: memref<128xi32, #tpu.memory_space<vmem>>, %arg6: memref<128x128xf32, #tpu.memory_space<vmem>>, %arg7: memref<!tpu.dma_semaphore, #tpu.memory_space<semaphore_mem>>) attributes {dimension_semantics = [#tpu.dimension_semantics<core_parallel>, #tpu.dimension_semantics<subcore_parallel>], iteration_bounds = array<i64: 2, 16>, scalar_prefetch = 0 : i64, scratch_operands = 3 : i64, tpu.core_type = #tpu.core_type<sc_vector_subcore>, window_params = [{transform_indices = #map}, {transform_indices = #map1}, {transform_indices = #map}]} {
    %mul3A = arith.constant 2 : i32
    %mul3A_0 = arith.muli %arg1, %mul3A : i32
    %add3A = arith.addi %mul3A_0, %arg0 : i32
    %scan3A = arith.constant 0 : i32
    %scan3A_1 = arith.constant 0 : i32
    %scan3A_2 = arith.constant 40 : i32
    %scan3A_3 = arith.addi %scan3A_1, %scan3A_2 : i32
    %scan3A_4 = arith.constant 1 : i32
    scf.for %scan3A_6 = %scan3A_1 to %scan3A_3 step %scan3A_4  : i32 {
      %mul3A_7 = arith.constant 32 : i32
      %mul3A_8 = arith.muli %scan3A_6, %mul3A_7 : i32
      %add3A_9 = arith.addi %add3A, %mul3A_8 : i32
      %lt3A = arith.constant 1250 : i32
      %lt3A_10 = arith.cmpi slt, %add3A_9, %lt3A : i32
      %convert_element_type3A = arith.extui %lt3A_10 : i1 to i32
      %cond3A = arith.constant 0 : i32
      %cond3A_11 = arith.cmpi ne, %convert_element_type3A, %cond3A : i32
      scf.if %cond3A_11 {
        %mul3A_12 = arith.constant 128 : i32
        %mul3A_13 = arith.muli %add3A_9, %mul3A_12 : i32
        "tpu.region"() ({
          %run_scoped3A = tpu.sem_alloc : memref<!tpu.dma_semaphore, #tpu.memory_space<semaphore_mem>>
          %dma_start3A_18 = tpu.memref_slice %arg3[%mul3A_13] : memref<160000xi32, #tpu.memory_space<hbm>> -> memref<128xi32, #tpu.memory_space<hbm>>
          %dma_start3A_19 = tpu.memref_slice %arg3[%mul3A_13] : memref<160000xi32, #tpu.memory_space<hbm>> -> memref<128xi32, #tpu.memory_space<hbm>>
          tpu.enqueue_dma source(%dma_start3A_19 : memref<128xi32, #tpu.memory_space<hbm>>) target(%arg5 : memref<128xi32, #tpu.memory_space<vmem>>) target_semaphore(%run_scoped3A : memref<!tpu.dma_semaphore, #tpu.memory_space<semaphore_mem>>)
          %dma_wait3A_20 = tpu.memref_slice %arg3[%mul3A_13] : memref<160000xi32, #tpu.memory_space<hbm>> -> memref<128xi32, #tpu.memory_space<hbm>>
          %dma_wait3A_21 = tpu.memref_slice %arg3[%mul3A_13] : memref<160000xi32, #tpu.memory_space<hbm>> -> memref<128xi32, #tpu.memory_space<hbm>>
          tpu.wait_dma2 semaphore(%run_scoped3A : memref<!tpu.dma_semaphore, #tpu.memory_space<semaphore_mem>>) src(%dma_wait3A_21 : memref<128xi32, #tpu.memory_space<hbm>>) dst(%arg5 : memref<128xi32, #tpu.memory_space<vmem>>)
          tpu.yield
        }) : () -> ()
        %dma_start3A = arith.constant 0 : i32
        %dma_start3A_14 = arith.constant 0 : i32
        %dma_start3A_15 = tpu.memref_slice %arg2[%dma_start3A, %dma_start3A_14] : memref<10000x128xf32, #tpu.memory_space<hbm>> -> memref<10000x128xf32, #tpu.memory_space<hbm>>
        tpu.enqueue_indirect_dma source(%dma_start3A_15 : memref<10000x128xf32, #tpu.memory_space<hbm>>) target(%arg6 : memref<128x128xf32, #tpu.memory_space<vmem>>) offsets(%arg5 : memref<128xi32, #tpu.memory_space<vmem>>) semaphore(%arg7 : memref<!tpu.dma_semaphore, #tpu.memory_space<semaphore_mem>>)
        %dma_wait3A = arith.constant 0 : i32
        %dma_wait3A_16 = arith.constant 0 : i32
        %dma_wait3A_17 = tpu.memref_slice %arg2[%dma_wait3A, %dma_wait3A_16] : memref<10000x128xf32, #tpu.memory_space<hbm>> -> memref<10000x128xf32, #tpu.memory_space<hbm>>
        tpu.wait_indirect_dma semaphore(%arg7 : memref<!tpu.dma_semaphore, #tpu.memory_space<semaphore_mem>>) src(%dma_wait3A_17 : memref<10000x128xf32, #tpu.memory_space<hbm>>) dst(%arg6 : memref<128x128xf32, #tpu.memory_space<vmem>>)
        "tpu.region"() ({
          %run_scoped3A = tpu.sem_alloc : memref<!tpu.dma_semaphore, #tpu.memory_space<semaphore_mem>>
          %dma_start3A_18 = arith.constant 0 : i32
          %dma_start3A_19 = tpu.memref_slice %arg4[%mul3A_13, %dma_start3A_18] : memref<160000x128xf32, #tpu.memory_space<hbm>> -> memref<128x128xf32, #tpu.memory_space<hbm>>
          %dma_start3A_20 = arith.constant 0 : i32
          %dma_start3A_21 = tpu.memref_slice %arg4[%mul3A_13, %dma_start3A_20] : memref<160000x128xf32, #tpu.memory_space<hbm>> -> memref<128x128xf32, #tpu.memory_space<hbm>>
          tpu.enqueue_dma source(%arg6 : memref<128x128xf32, #tpu.memory_space<vmem>>) target(%dma_start3A_21 : memref<128x128xf32, #tpu.memory_space<hbm>>) target_semaphore(%run_scoped3A : memref<!tpu.dma_semaphore, #tpu.memory_space<semaphore_mem>>)
          %dma_wait3A_22 = arith.constant 0 : i32
          %dma_wait3A_23 = tpu.memref_slice %arg4[%mul3A_13, %dma_wait3A_22] : memref<160000x128xf32, #tpu.memory_space<hbm>> -> memref<128x128xf32, #tpu.memory_space<hbm>>
          %dma_wait3A_24 = arith.constant 0 : i32
          %dma_wait3A_25 = tpu.memref_slice %arg4[%mul3A_13, %dma_wait3A_24] : memref<160000x128xf32, #tpu.memory_space<hbm>> -> memref<128x128xf32, #tpu.memory_space<hbm>>
          tpu.wait_dma2 semaphore(%run_scoped3A : memref<!tpu.dma_semaphore, #tpu.memory_space<semaphore_mem>>) src(%arg6 : memref<128x128xf32, #tpu.memory_space<vmem>>) dst(%dma_wait3A_25 : memref<128x128xf32, #tpu.memory_space<hbm>>)
          tpu.yield
        }) : () -> ()
      } else {
      }
    }
    %scan3A_5 = arith.constant 40 : i32
    return
  }
}

module attributes {stable_mosaic.version = 14 : i64} {
  func.func @_proj_body(%arg0: i32, %arg1: memref<2000x128xf32, #tpu.memory_space<vmem>>, %arg2: memref<128x128xf32, #tpu.memory_space<vmem>>, %arg3: memref<1x128xf32, #tpu.memory_space<vmem>>, %arg4: memref<2000x128xf32, #tpu.memory_space<vmem>>) attributes {dimension_semantics = [#tpu.dimension_semantics<arbitrary>], iteration_bounds = array<i64: 5>, scalar_prefetch = 0 : i64, scratch_operands = 0 : i64, tpu.core_type = #tpu.core_type<tc>, window_params = [{transform_indices = @transform_0, window_bounds = array<i64: 2000, 128>}, {pipeline_mode = #tpu.pipeline_mode<synchronous>, transform_indices = @transform_1, window_bounds = array<i64: 128, 128>}, {pipeline_mode = #tpu.pipeline_mode<synchronous>, transform_indices = @transform_2, window_bounds = array<i64: 1, 128>}, {transform_indices = @transform_3, window_bounds = array<i64: 2000, 128>}]} {
    %get3A = arith.constant 0 : index
    %get3A_0 = arith.constant 0 : index
    %get3A_1 = vector.load %arg1[%get3A, %get3A_0] : memref<2000x128xf32, #tpu.memory_space<vmem>>, vector<2000x128xf32>
    %convert_element_type3A = arith.truncf %get3A_1 : vector<2000x128xf32> to vector<2000x128xbf16>
    %get3A_2 = arith.constant 0 : index
    %get3A_3 = arith.constant 0 : index
    %get3A_4 = vector.load %arg2[%get3A_2, %get3A_3] : memref<128x128xf32, #tpu.memory_space<vmem>>, vector<128x128xf32>
    %convert_element_type3A_5 = arith.truncf %get3A_4 : vector<128x128xf32> to vector<128x128xbf16>
    %dot_general3A = arith.constant dense<0.000000e+00> : vector<2000x128xf32>
    %dot_general3A_6 = tpu.matmul %convert_element_type3A, %convert_element_type3A_5, %dot_general3A {dimension_numbers = #tpu.dot_dimension_numbers<[1], [0], [0], [1], [0, 0, 1, 1], [], []>, transpose_lhs_hint = false} : vector<2000x128xbf16>, vector<128x128xbf16>, vector<2000x128xf32> -> vector<2000x128xf32>
    %get3A_7 = arith.constant 0 : index
    %get3A_8 = arith.constant 0 : index
    %get3A_9 = vector.load %arg3[%get3A_7, %get3A_8] : memref<1x128xf32, #tpu.memory_space<vmem>>, vector<1x128xf32>
    %add3A = vector.broadcast %get3A_9 : vector<1x128xf32> to vector<2000x128xf32>
    %add3A_10 = arith.addf %dot_general3A_6, %add3A : vector<2000x128xf32>
    %swap3A = arith.constant 0 : index
    %swap3A_11 = arith.constant 0 : index
    %swap3A_12 = vector.load %arg4[%swap3A, %swap3A_11] : memref<2000x128xf32, #tpu.memory_space<vmem>>, vector<2000x128xf32>
    tpu.vector_store %arg4[%swap3A, %swap3A_11], %add3A_10 {strides = array<i32>} : memref<2000x128xf32, #tpu.memory_space<vmem>>, vector<2000x128xf32>,
    return
  }
  func.func @transform_0(%arg0: i32) -> (i32, i32) {
    %c0_i32 = arith.constant 0 : i32
    %c0_i32_0 = arith.constant 0 : i32
    return %arg0, %c0_i32 : i32, i32
  }
  func.func @transform_1(%arg0: i32) -> (i32, i32) {
    %c0_i32 = arith.constant 0 : i32
    %c0_i32_0 = arith.constant 0 : i32
    %c0_i32_1 = arith.constant 0 : i32
    return %c0_i32, %c0_i32_0 : i32, i32
  }
  func.func @transform_2(%arg0: i32) -> (i32, i32) {
    %c0_i32 = arith.constant 0 : i32
    %c0_i32_0 = arith.constant 0 : i32
    %c0_i32_1 = arith.constant 0 : i32
    return %c0_i32, %c0_i32_0 : i32, i32
  }
  func.func @transform_3(%arg0: i32) -> (i32, i32) {
    %c0_i32 = arith.constant 0 : i32
    %c0_i32_0 = arith.constant 0 : i32
    return %arg0, %c0_i32 : i32, i32
  }
}

module attributes {stable_mosaic.version = 14 : i64} {
  func.func @_combine_body(%arg0: i32, %arg1: memref<6400x128xf32, #tpu.memory_space<vmem>>, %arg2: memref<6400x16xf32, #tpu.memory_space<vmem>>, %arg3: memref<400x128xf32, #tpu.memory_space<vmem>>, %arg4: memref<128x128xf32, #tpu.memory_space<vmem>>, %arg5: memref<128x128xf32, #tpu.memory_space<vmem>>, %arg6: memref<128x128xf32, #tpu.memory_space<vmem>>, %arg7: memref<128x128xf32, #tpu.memory_space<vmem>>, %arg8: memref<144x128xf32, #tpu.memory_space<vmem>>, %arg9: memref<256x128xf32, #tpu.memory_space<vmem>>, %arg10: memref<16x128xf32, #tpu.memory_space<vmem>>, %arg11: memref<16x128xf32, #tpu.memory_space<vmem>>, %arg12: memref<8x128xf32, #tpu.memory_space<vmem>>, %arg13: memref<400x128xf32, #tpu.memory_space<vmem>>, %arg14: memref<400x128xf32, #tpu.memory_space<vmem>>) attributes {dimension_semantics = [#tpu.dimension_semantics<arbitrary>], iteration_bounds = array<i64: 25>, scalar_prefetch = 0 : i64, scratch_operands = 0 : i64, tpu.core_type = #tpu.core_type<tc>, window_params = [{transform_indices = @transform_0, window_bounds = array<i64: 6400, 128>}, {transform_indices = @transform_1, window_bounds = array<i64: 6400, 16>}, {transform_indices = @transform_2, window_bounds = array<i64: 400, 128>}, {pipeline_mode = #tpu.pipeline_mode<synchronous>, transform_indices = @transform_3, window_bounds = array<i64: 128, 128>}, {pipeline_mode = #tpu.pipeline_mode<synchronous>, transform_indices = @transform_4, window_bounds = array<i64: 128, 128>}, {pipeline_mode = #tpu.pipeline_mode<synchronous>, transform_indices = @transform_5, window_bounds = array<i64: 128, 128>}, {pipeline_mode = #tpu.pipeline_mode<synchronous>, transform_indices = @transform_6, window_bounds = array<i64: 128, 128>}, {pipeline_mode = #tpu.pipeline_mode<synchronous>, transform_indices = @transform_7, window_bounds = array<i64: 144, 128>}, {pipeline_mode = #tpu.pipeline_mode<synchronous>, transform_indices = @transform_8, window_bounds = array<i64: 256, 128>}, {pipeline_mode = #tpu.pipeline_mode<synchronous>, transform_indices = @transform_9, window_bounds = array<i64: 16, 128>}, {pipeline_mode = #tpu.pipeline_mode<synchronous>, transform_indices = @transform_10, window_bounds = array<i64: 16, 128>}, {pipeline_mode = #tpu.pipeline_mode<synchronous>, transform_indices = @transform_11, window_bounds = array<i64: 8, 128>}, {transform_indices = @transform_12, window_bounds = array<i64: 400, 128>}, {transform_indices = @transform_13, window_bounds = array<i64: 400, 128>}]} {
    %get3A = arith.constant 0 : index
    %get3A_0 = arith.constant 0 : index
    %get3A_1 = vector.load %arg1[%get3A, %get3A_0] : memref<6400x128xf32, #tpu.memory_space<vmem>>, vector<6400x128xf32>
    %get3A_2 = arith.constant 0 : index
    %get3A_3 = arith.constant 0 : index
    %get3A_4 = vector.load %arg2[%get3A_2, %get3A_3] : memref<6400x16xf32, #tpu.memory_space<vmem>>, vector<6400x16xf32>
    %get3A_5 = arith.constant 0 : index
    %get3A_6 = arith.constant 0 : index
    %get3A_7 = vector.load %arg3[%get3A_5, %get3A_6] : memref<400x128xf32, #tpu.memory_space<vmem>>, vector<400x128xf32>
    %get3A_8 = arith.constant 0 : index
    %get3A_9 = arith.constant 0 : index
    %get3A_10 = vector.load %arg12[%get3A_8, %get3A_9] : memref<8x128xf32, #tpu.memory_space<vmem>>, vector<8x128xf32>
    %get3A_11 = arith.constant 0 : index
    %get3A_12 = arith.constant 0 : index
    %get3A_13 = vector.load %arg4[%get3A_11, %get3A_12] : memref<128x128xf32, #tpu.memory_space<vmem>>, vector<128x128xf32>
    %dot_general3A = arith.constant dense<0.000000e+00> : vector<6400x128xf32>
    %dot_general3A_14 = tpu.matmul %get3A_1, %get3A_13, %dot_general3A {dimension_numbers = #tpu.dot_dimension_numbers<[1], [0], [0], [1], [0, 0, 1, 1], [], []>, transpose_lhs_hint = false} : vector<6400x128xf32>, vector<128x128xf32>, vector<6400x128xf32> -> vector<6400x128xf32>
    %slice3A = vector.extract_strided_slice %get3A_10 {offsets = [0, 0], sizes = [1, 128], strides = [1, 1]} : vector<8x128xf32> to vector<1x128xf32>
    %add3A = vector.broadcast %slice3A : vector<1x128xf32> to vector<6400x128xf32>
    %add3A_15 = arith.addf %dot_general3A_14, %add3A : vector<6400x128xf32>
    %get3A_16 = arith.constant 0 : index
    %get3A_17 = arith.constant 0 : index
    %get3A_18 = vector.load %arg10[%get3A_16, %get3A_17] : memref<16x128xf32, #tpu.memory_space<vmem>>, vector<16x128xf32>
    %dot_general3A_19 = arith.constant dense<0.000000e+00> : vector<6400x128xf32>
    %dot_general3A_20 = tpu.matmul %get3A_4, %get3A_18, %dot_general3A_19 {dimension_numbers = #tpu.dot_dimension_numbers<[1], [0], [0], [1], [0, 0, 1, 1], [], []>, transpose_lhs_hint = false} : vector<6400x16xf32>, vector<16x128xf32>, vector<6400x128xf32> -> vector<6400x128xf32>
    %slice3A_21 = vector.extract_strided_slice %get3A_10 {offsets = [1, 0], sizes = [1, 128], strides = [1, 1]} : vector<8x128xf32> to vector<1x128xf32>
    %add3A_22 = vector.broadcast %slice3A_21 : vector<1x128xf32> to vector<6400x128xf32>
    %add3A_23 = arith.addf %dot_general3A_20, %add3A_22 : vector<6400x128xf32>
    %get3A_24 = arith.constant 0 : index
    %get3A_25 = arith.constant 0 : index
    %get3A_26 = vector.load %arg5[%get3A_24, %get3A_25] : memref<128x128xf32, #tpu.memory_space<vmem>>, vector<128x128xf32>
    %dot_general3A_27 = arith.constant dense<0.000000e+00> : vector<6400x128xf32>
    %dot_general3A_28 = tpu.matmul %get3A_1, %get3A_26, %dot_general3A_27 {dimension_numbers = #tpu.dot_dimension_numbers<[1], [0], [0], [1], [0, 0, 1, 1], [], []>, transpose_lhs_hint = false} : vector<6400x128xf32>, vector<128x128xf32>, vector<6400x128xf32> -> vector<6400x128xf32>
    %slice3A_29 = vector.extract_strided_slice %get3A_10 {offsets = [2, 0], sizes = [1, 128], strides = [1, 1]} : vector<8x128xf32> to vector<1x128xf32>
    %add3A_30 = vector.broadcast %slice3A_29 : vector<1x128xf32> to vector<6400x128xf32>
    %add3A_31 = arith.addf %dot_general3A_28, %add3A_30 : vector<6400x128xf32>
    %get3A_32 = arith.constant 0 : index
    %get3A_33 = arith.constant 0 : index
    %get3A_34 = vector.load %arg11[%get3A_32, %get3A_33] : memref<16x128xf32, #tpu.memory_space<vmem>>, vector<16x128xf32>
    %dot_general3A_35 = arith.constant dense<0.000000e+00> : vector<6400x128xf32>
    %dot_general3A_36 = tpu.matmul %get3A_4, %get3A_34, %dot_general3A_35 {dimension_numbers = #tpu.dot_dimension_numbers<[1], [0], [0], [1], [0, 0, 1, 1], [], []>, transpose_lhs_hint = false} : vector<6400x16xf32>, vector<16x128xf32>, vector<6400x128xf32> -> vector<6400x128xf32>
    %slice3A_37 = vector.extract_strided_slice %get3A_10 {offsets = [3, 0], sizes = [1, 128], strides = [1, 1]} : vector<8x128xf32> to vector<1x128xf32>
    %add3A_38 = vector.broadcast %slice3A_37 : vector<1x128xf32> to vector<6400x128xf32>
    %add3A_39 = arith.addf %dot_general3A_36, %add3A_38 : vector<6400x128xf32>
    %get3A_40 = arith.constant 0 : index
    %get3A_41 = arith.constant 0 : index
    %get3A_42 = vector.load %arg6[%get3A_40, %get3A_41] : memref<128x128xf32, #tpu.memory_space<vmem>>, vector<128x128xf32>
    %dot_general3A_43 = arith.constant dense<0.000000e+00> : vector<400x128xf32>
    %dot_general3A_44 = tpu.matmul %get3A_7, %get3A_42, %dot_general3A_43 {dimension_numbers = #tpu.dot_dimension_numbers<[1], [0], [0], [1], [0, 0, 1, 1], [], []>, transpose_lhs_hint = false} : vector<400x128xf32>, vector<128x128xf32>, vector<400x128xf32> -> vector<400x128xf32>
    %slice3A_45 = vector.extract_strided_slice %get3A_10 {offsets = [4, 0], sizes = [1, 128], strides = [1, 1]} : vector<8x128xf32> to vector<1x128xf32>
    %add3A_46 = vector.broadcast %slice3A_45 : vector<1x128xf32> to vector<400x128xf32>
    %add3A_47 = arith.addf %dot_general3A_44, %add3A_46 : vector<400x128xf32>
    %reshape3A = vector.shape_cast %add3A_31 : vector<6400x128xf32> to vector<400x16x128xf32>
    %reshape3A_48 = vector.shape_cast %add3A_39 : vector<6400x128xf32> to vector<400x16x128xf32>
    %add3A_49 = arith.addf %reshape3A, %reshape3A_48 : vector<400x16x128xf32>
    %broadcast_in_dim3A = vector.shape_cast %add3A_47 : vector<400x128xf32> to vector<400x1x128xf32>
    %add3A_50 = vector.broadcast %broadcast_in_dim3A : vector<400x1x128xf32> to vector<400x16x128xf32>
    %add3A_51 = arith.addf %add3A_49, %add3A_50 : vector<400x16x128xf32>
    %logistic3A = arith.negf %add3A_51 : vector<400x16x128xf32>
    %logistic3A_52 = math.exp %logistic3A : vector<400x16x128xf32>
    %logistic3A_53 = arith.constant 1.000000e+00 : f32
    %logistic3A_54 = vector.broadcast %logistic3A_53 : f32 to vector<400x16x128xf32>
    %logistic3A_55 = arith.addf %logistic3A_54, %logistic3A_52 : vector<400x16x128xf32>
    %logistic3A_56 = arith.divf %logistic3A_54, %logistic3A_55 : vector<400x16x128xf32>
    %mul3A = arith.constant 1.000000e+01 : f32
    %mul3A_57 = vector.broadcast %mul3A : f32 to vector<400x16x128xf32>
    %mul3A_58 = arith.mulf %logistic3A_56, %mul3A_57 : vector<400x16x128xf32>
    %reshape3A_59 = vector.shape_cast %add3A_15 : vector<6400x128xf32> to vector<400x16x128xf32>
    %mul3A_60 = arith.mulf %mul3A_58, %reshape3A_59 : vector<400x16x128xf32>
    %reshape3A_61 = vector.shape_cast %add3A_23 : vector<6400x128xf32> to vector<400x16x128xf32>
    %mul3A_62 = arith.mulf %mul3A_60, %reshape3A_61 : vector<400x16x128xf32>
    %reduce_sum3A = arith.constant dense<0.000000e+00> : vector<400x128xf32>
    %reduce_sum3A_63 = vector.multi_reduction <add>, %mul3A_62, %reduce_sum3A [1] : vector<400x16x128xf32> to vector<400x128xf32>
    %get3A_64 = arith.constant 0 : index
    %get3A_65 = arith.constant 0 : index
    %get3A_66 = vector.load %arg7[%get3A_64, %get3A_65] : memref<128x128xf32, #tpu.memory_space<vmem>>, vector<128x128xf32>
    %dot_general3A_67 = arith.constant dense<0.000000e+00> : vector<400x128xf32>
    %dot_general3A_68 = tpu.matmul %get3A_7, %get3A_66, %dot_general3A_67 {dimension_numbers = #tpu.dot_dimension_numbers<[1], [0], [0], [1], [0, 0, 1, 1], [], []>, transpose_lhs_hint = false} : vector<400x128xf32>, vector<128x128xf32>, vector<400x128xf32> -> vector<400x128xf32>
    %slice3A_69 = vector.extract_strided_slice %get3A_10 {offsets = [5, 0], sizes = [1, 128], strides = [1, 1]} : vector<8x128xf32> to vector<1x128xf32>
    %add3A_70 = vector.broadcast %slice3A_69 : vector<1x128xf32> to vector<400x128xf32>
    %add3A_71 = arith.addf %dot_general3A_68, %add3A_70 : vector<400x128xf32>
    %mul3A_72 = arith.mulf %reduce_sum3A_63, %add3A_71 : vector<400x128xf32>
    %swap3A = arith.constant 0 : index
    %swap3A_73 = arith.constant 0 : index
    %swap3A_74 = vector.load %arg14[%swap3A, %swap3A_73] : memref<400x128xf32, #tpu.memory_space<vmem>>, vector<400x128xf32>
    tpu.vector_store %arg14[%swap3A, %swap3A_73], %mul3A_72 {strides = array<i32>} : memref<400x128xf32, #tpu.memory_space<vmem>>, vector<400x128xf32>,
    %concatenate3A = tpu.concatenate %get3A_1, %get3A_4 in 1 : vector<6400x128xf32>, vector<6400x16xf32> -> vector<6400x144xf32>
    %get3A_75 = arith.constant 0 : index
    %get3A_76 = arith.constant 0 : index
    %get3A_77 = vector.load %arg8[%get3A_75, %get3A_76] : memref<144x128xf32, #tpu.memory_space<vmem>>, vector<144x128xf32>
    %dot_general3A_78 = arith.constant dense<0.000000e+00> : vector<6400x128xf32>
    %dot_general3A_79 = tpu.matmul %concatenate3A, %get3A_77, %dot_general3A_78 {dimension_numbers = #tpu.dot_dimension_numbers<[1], [0], [0], [1], [0, 0, 1, 1], [], []>, transpose_lhs_hint = false} : vector<6400x144xf32>, vector<144x128xf32>, vector<6400x128xf32> -> vector<6400x128xf32>
    %slice3A_80 = vector.extract_strided_slice %get3A_10 {offsets = [6, 0], sizes = [1, 128], strides = [1, 1]} : vector<8x128xf32> to vector<1x128xf32>
    %add3A_81 = vector.broadcast %slice3A_80 : vector<1x128xf32> to vector<6400x128xf32>
    %add3A_82 = arith.addf %dot_general3A_79, %add3A_81 : vector<6400x128xf32>
    %max3A = arith.constant 0.000000e+00 : f32
    %max3A_83 = vector.broadcast %max3A : f32 to vector<6400x128xf32>
    %max3A_84 = arith.maximumf %add3A_82, %max3A_83 : vector<6400x128xf32>
    %reshape3A_85 = vector.shape_cast %max3A_84 : vector<6400x128xf32> to vector<400x16x128xf32>
    %reduce_sum3A_86 = arith.constant dense<0.000000e+00> : vector<400x128xf32>
    %reduce_sum3A_87 = vector.multi_reduction <add>, %reshape3A_85, %reduce_sum3A_86 [1] : vector<400x16x128xf32> to vector<400x128xf32>
    %concatenate3A_88 = tpu.concatenate %get3A_7, %reduce_sum3A_87 in 1 : vector<400x128xf32>, vector<400x128xf32> -> vector<400x256xf32>
    %get3A_89 = arith.constant 0 : index
    %get3A_90 = arith.constant 0 : index
    %get3A_91 = vector.load %arg9[%get3A_89, %get3A_90] : memref<256x128xf32, #tpu.memory_space<vmem>>, vector<256x128xf32>
    %dot_general3A_92 = arith.constant dense<0.000000e+00> : vector<400x128xf32>
    %dot_general3A_93 = tpu.matmul %concatenate3A_88, %get3A_91, %dot_general3A_92 {dimension_numbers = #tpu.dot_dimension_numbers<[1], [0], [0], [1], [0, 0, 1, 1], [], []>, transpose_lhs_hint = false} : vector<400x256xf32>, vector<256x128xf32>, vector<400x128xf32> -> vector<400x128xf32>
    %slice3A_94 = vector.extract_strided_slice %get3A_10 {offsets = [7, 0], sizes = [1, 128], strides = [1, 1]} : vector<8x128xf32> to vector<1x128xf32>
    %add3A_95 = vector.broadcast %slice3A_94 : vector<1x128xf32> to vector<400x128xf32>
    %add3A_96 = arith.addf %dot_general3A_93, %add3A_95 : vector<400x128xf32>
    %max3A_97 = arith.constant 0.000000e+00 : f32
    %max3A_98 = vector.broadcast %max3A_97 : f32 to vector<400x128xf32>
    %max3A_99 = arith.maximumf %add3A_96, %max3A_98 : vector<400x128xf32>
    %swap3A_100 = arith.constant 0 : index
    %swap3A_101 = arith.constant 0 : index
    %swap3A_102 = vector.load %arg13[%swap3A_100, %swap3A_101] : memref<400x128xf32, #tpu.memory_space<vmem>>, vector<400x128xf32>
    tpu.vector_store %arg13[%swap3A_100, %swap3A_101], %max3A_99 {strides = array<i32>} : memref<400x128xf32, #tpu.memory_space<vmem>>, vector<400x128xf32>,
    return
  }
  func.func @transform_0(%arg0: i32) -> (i32, i32) {
    %c0_i32 = arith.constant 0 : i32
    %c0_i32_0 = arith.constant 0 : i32
    return %arg0, %c0_i32 : i32, i32
  }
  func.func @transform_1(%arg0: i32) -> (i32, i32) {
    %c0_i32 = arith.constant 0 : i32
    %c0_i32_0 = arith.constant 0 : i32
    return %arg0, %c0_i32 : i32, i32
  }
  func.func @transform_2(%arg0: i32) -> (i32, i32) {
    %c0_i32 = arith.constant 0 : i32
    %c0_i32_0 = arith.constant 0 : i32
    return %arg0, %c0_i32 : i32, i32
  }
  func.func @transform_3(%arg0: i32) -> (i32, i32) {
    %c0_i32 = arith.constant 0 : i32
    %c0_i32_0 = arith.constant 0 : i32
    %c0_i32_1 = arith.constant 0 : i32
    return %c0_i32, %c0_i32_0 : i32, i32
  }
  func.func @transform_4(%arg0: i32) -> (i32, i32) {
    %c0_i32 = arith.constant 0 : i32
    %c0_i32_0 = arith.constant 0 : i32
    %c0_i32_1 = arith.constant 0 : i32
    return %c0_i32, %c0_i32_0 : i32, i32
  }
  func.func @transform_5(%arg0: i32) -> (i32, i32) {
    %c0_i32 = arith.constant 0 : i32
    %c0_i32_0 = arith.constant 0 : i32
    %c0_i32_1 = arith.constant 0 : i32
    return %c0_i32, %c0_i32_0 : i32, i32
  }
  func.func @transform_6(%arg0: i32) -> (i32, i32) {
    %c0_i32 = arith.constant 0 : i32
    %c0_i32_0 = arith.constant 0 : i32
    %c0_i32_1 = arith.constant 0 : i32
    return %c0_i32, %c0_i32_0 : i32, i32
  }
  func.func @transform_7(%arg0: i32) -> (i32, i32) {
    %c0_i32 = arith.constant 0 : i32
    %c0_i32_0 = arith.constant 0 : i32
    %c0_i32_1 = arith.constant 0 : i32
    return %c0_i32, %c0_i32_0 : i32, i32
  }
  func.func @transform_8(%arg0: i32) -> (i32, i32) {
    %c0_i32 = arith.constant 0 : i32
    %c0_i32_0 = arith.constant 0 : i32
    %c0_i32_1 = arith.constant 0 : i32
    return %c0_i32, %c0_i32_0 : i32, i32
  }
  func.func @transform_9(%arg0: i32) -> (i32, i32) {
    %c0_i32 = arith.constant 0 : i32
    %c0_i32_0 = arith.constant 0 : i32
    %c0_i32_1 = arith.constant 0 : i32
    return %c0_i32, %c0_i32_0 : i32, i32
  }
  func.func @transform_10(%arg0: i32) -> (i32, i32) {
    %c0_i32 = arith.constant 0 : i32
    %c0_i32_0 = arith.constant 0 : i32
    %c0_i32_1 = arith.constant 0 : i32
    return %c0_i32, %c0_i32_0 : i32, i32
  }
  func.func @transform_11(%arg0: i32) -> (i32, i32) {
    %c0_i32 = arith.constant 0 : i32
    %c0_i32_0 = arith.constant 0 : i32
    %c0_i32_1 = arith.constant 0 : i32
    return %c0_i32, %c0_i32_0 : i32, i32
  }
  func.func @transform_12(%arg0: i32) -> (i32, i32) {
    %c0_i32 = arith.constant 0 : i32
    %c0_i32_0 = arith.constant 0 : i32
    return %arg0, %c0_i32 : i32, i32
  }
  func.func @transform_13(%arg0: i32) -> (i32, i32) {
    %c0_i32 = arith.constant 0 : i32
    %c0_i32_0 = arith.constant 0 : i32
    return %arg0, %c0_i32 : i32, i32
  }
}

module attributes {stable_mosaic.version = 14 : i64} {
  func.func @_combine_body(%arg0: i32, %arg1: memref<6400x128xf32, #tpu.memory_space<vmem>>, %arg2: memref<6400x16xf32, #tpu.memory_space<vmem>>, %arg3: memref<400x128xf32, #tpu.memory_space<vmem>>, %arg4: memref<128x128xf32, #tpu.memory_space<vmem>>, %arg5: memref<128x128xf32, #tpu.memory_space<vmem>>, %arg6: memref<128x128xf32, #tpu.memory_space<vmem>>, %arg7: memref<128x128xf32, #tpu.memory_space<vmem>>, %arg8: memref<144x128xf32, #tpu.memory_space<vmem>>, %arg9: memref<256x128xf32, #tpu.memory_space<vmem>>, %arg10: memref<16x128xf32, #tpu.memory_space<vmem>>, %arg11: memref<16x128xf32, #tpu.memory_space<vmem>>, %arg12: memref<8x128xf32, #tpu.memory_space<vmem>>, %arg13: memref<400x128xf32, #tpu.memory_space<vmem>>, %arg14: memref<400x128xf32, #tpu.memory_space<vmem>>) attributes {dimension_semantics = [#tpu.dimension_semantics<arbitrary>], iteration_bounds = array<i64: 25>, scalar_prefetch = 0 : i64, scratch_operands = 0 : i64, tpu.core_type = #tpu.core_type<tc>, window_params = [{transform_indices = @transform_0, window_bounds = array<i64: 6400, 128>}, {transform_indices = @transform_1, window_bounds = array<i64: 6400, 16>}, {transform_indices = @transform_2, window_bounds = array<i64: 400, 128>}, {pipeline_mode = #tpu.pipeline_mode<synchronous>, transform_indices = @transform_3, window_bounds = array<i64: 128, 128>}, {pipeline_mode = #tpu.pipeline_mode<synchronous>, transform_indices = @transform_4, window_bounds = array<i64: 128, 128>}, {pipeline_mode = #tpu.pipeline_mode<synchronous>, transform_indices = @transform_5, window_bounds = array<i64: 128, 128>}, {pipeline_mode = #tpu.pipeline_mode<synchronous>, transform_indices = @transform_6, window_bounds = array<i64: 128, 128>}, {pipeline_mode = #tpu.pipeline_mode<synchronous>, transform_indices = @transform_7, window_bounds = array<i64: 144, 128>}, {pipeline_mode = #tpu.pipeline_mode<synchronous>, transform_indices = @transform_8, window_bounds = array<i64: 256, 128>}, {pipeline_mode = #tpu.pipeline_mode<synchronous>, transform_indices = @transform_9, window_bounds = array<i64: 16, 128>}, {pipeline_mode = #tpu.pipeline_mode<synchronous>, transform_indices = @transform_10, window_bounds = array<i64: 16, 128>}, {pipeline_mode = #tpu.pipeline_mode<synchronous>, transform_indices = @transform_11, window_bounds = array<i64: 8, 128>}, {transform_indices = @transform_12, window_bounds = array<i64: 400, 128>}, {transform_indices = @transform_13, window_bounds = array<i64: 400, 128>}]} {
    %get3A = arith.constant 0 : index
    %get3A_0 = arith.constant 0 : index
    %get3A_1 = vector.load %arg1[%get3A, %get3A_0] : memref<6400x128xf32, #tpu.memory_space<vmem>>, vector<6400x128xf32>
    %get3A_2 = arith.constant 0 : index
    %get3A_3 = arith.constant 0 : index
    %get3A_4 = vector.load %arg2[%get3A_2, %get3A_3] : memref<6400x16xf32, #tpu.memory_space<vmem>>, vector<6400x16xf32>
    %get3A_5 = arith.constant 0 : index
    %get3A_6 = arith.constant 0 : index
    %get3A_7 = vector.load %arg3[%get3A_5, %get3A_6] : memref<400x128xf32, #tpu.memory_space<vmem>>, vector<400x128xf32>
    %get3A_8 = arith.constant 0 : index
    %get3A_9 = arith.constant 0 : index
    %get3A_10 = vector.load %arg12[%get3A_8, %get3A_9] : memref<8x128xf32, #tpu.memory_space<vmem>>, vector<8x128xf32>
    %get3A_11 = arith.constant 0 : index
    %get3A_12 = arith.constant 0 : index
    %get3A_13 = vector.load %arg4[%get3A_11, %get3A_12] : memref<128x128xf32, #tpu.memory_space<vmem>>, vector<128x128xf32>
    %dot_general3A = arith.constant dense<0.000000e+00> : vector<6400x128xf32>
    %dot_general3A_14 = tpu.matmul %get3A_1, %get3A_13, %dot_general3A {dimension_numbers = #tpu.dot_dimension_numbers<[1], [0], [0], [1], [0, 0, 1, 1], [], []>, transpose_lhs_hint = false} : vector<6400x128xf32>, vector<128x128xf32>, vector<6400x128xf32> -> vector<6400x128xf32>
    %slice3A = vector.extract_strided_slice %get3A_10 {offsets = [0, 0], sizes = [1, 128], strides = [1, 1]} : vector<8x128xf32> to vector<1x128xf32>
    %add3A = vector.broadcast %slice3A : vector<1x128xf32> to vector<6400x128xf32>
    %add3A_15 = arith.addf %dot_general3A_14, %add3A : vector<6400x128xf32>
    %get3A_16 = arith.constant 0 : index
    %get3A_17 = arith.constant 0 : index
    %get3A_18 = vector.load %arg10[%get3A_16, %get3A_17] : memref<16x128xf32, #tpu.memory_space<vmem>>, vector<16x128xf32>
    %dot_general3A_19 = arith.constant dense<0.000000e+00> : vector<6400x128xf32>
    %dot_general3A_20 = tpu.matmul %get3A_4, %get3A_18, %dot_general3A_19 {dimension_numbers = #tpu.dot_dimension_numbers<[1], [0], [0], [1], [0, 0, 1, 1], [], []>, transpose_lhs_hint = false} : vector<6400x16xf32>, vector<16x128xf32>, vector<6400x128xf32> -> vector<6400x128xf32>
    %slice3A_21 = vector.extract_strided_slice %get3A_10 {offsets = [1, 0], sizes = [1, 128], strides = [1, 1]} : vector<8x128xf32> to vector<1x128xf32>
    %add3A_22 = vector.broadcast %slice3A_21 : vector<1x128xf32> to vector<6400x128xf32>
    %add3A_23 = arith.addf %dot_general3A_20, %add3A_22 : vector<6400x128xf32>
    %get3A_24 = arith.constant 0 : index
    %get3A_25 = arith.constant 0 : index
    %get3A_26 = vector.load %arg5[%get3A_24, %get3A_25] : memref<128x128xf32, #tpu.memory_space<vmem>>, vector<128x128xf32>
    %dot_general3A_27 = arith.constant dense<0.000000e+00> : vector<6400x128xf32>
    %dot_general3A_28 = tpu.matmul %get3A_1, %get3A_26, %dot_general3A_27 {dimension_numbers = #tpu.dot_dimension_numbers<[1], [0], [0], [1], [0, 0, 1, 1], [], []>, transpose_lhs_hint = false} : vector<6400x128xf32>, vector<128x128xf32>, vector<6400x128xf32> -> vector<6400x128xf32>
    %slice3A_29 = vector.extract_strided_slice %get3A_10 {offsets = [2, 0], sizes = [1, 128], strides = [1, 1]} : vector<8x128xf32> to vector<1x128xf32>
    %add3A_30 = vector.broadcast %slice3A_29 : vector<1x128xf32> to vector<6400x128xf32>
    %add3A_31 = arith.addf %dot_general3A_28, %add3A_30 : vector<6400x128xf32>
    %get3A_32 = arith.constant 0 : index
    %get3A_33 = arith.constant 0 : index
    %get3A_34 = vector.load %arg11[%get3A_32, %get3A_33] : memref<16x128xf32, #tpu.memory_space<vmem>>, vector<16x128xf32>
    %dot_general3A_35 = arith.constant dense<0.000000e+00> : vector<6400x128xf32>
    %dot_general3A_36 = tpu.matmul %get3A_4, %get3A_34, %dot_general3A_35 {dimension_numbers = #tpu.dot_dimension_numbers<[1], [0], [0], [1], [0, 0, 1, 1], [], []>, transpose_lhs_hint = false} : vector<6400x16xf32>, vector<16x128xf32>, vector<6400x128xf32> -> vector<6400x128xf32>
    %slice3A_37 = vector.extract_strided_slice %get3A_10 {offsets = [3, 0], sizes = [1, 128], strides = [1, 1]} : vector<8x128xf32> to vector<1x128xf32>
    %add3A_38 = vector.broadcast %slice3A_37 : vector<1x128xf32> to vector<6400x128xf32>
    %add3A_39 = arith.addf %dot_general3A_36, %add3A_38 : vector<6400x128xf32>
    %get3A_40 = arith.constant 0 : index
    %get3A_41 = arith.constant 0 : index
    %get3A_42 = vector.load %arg6[%get3A_40, %get3A_41] : memref<128x128xf32, #tpu.memory_space<vmem>>, vector<128x128xf32>
    %dot_general3A_43 = arith.constant dense<0.000000e+00> : vector<400x128xf32>
    %dot_general3A_44 = tpu.matmul %get3A_7, %get3A_42, %dot_general3A_43 {dimension_numbers = #tpu.dot_dimension_numbers<[1], [0], [0], [1], [0, 0, 1, 1], [], []>, transpose_lhs_hint = false} : vector<400x128xf32>, vector<128x128xf32>, vector<400x128xf32> -> vector<400x128xf32>
    %slice3A_45 = vector.extract_strided_slice %get3A_10 {offsets = [4, 0], sizes = [1, 128], strides = [1, 1]} : vector<8x128xf32> to vector<1x128xf32>
    %add3A_46 = vector.broadcast %slice3A_45 : vector<1x128xf32> to vector<400x128xf32>
    %add3A_47 = arith.addf %dot_general3A_44, %add3A_46 : vector<400x128xf32>
    %reshape3A = vector.shape_cast %add3A_31 : vector<6400x128xf32> to vector<400x16x128xf32>
    %reshape3A_48 = vector.shape_cast %add3A_39 : vector<6400x128xf32> to vector<400x16x128xf32>
    %add3A_49 = arith.addf %reshape3A, %reshape3A_48 : vector<400x16x128xf32>
    %broadcast_in_dim3A = vector.shape_cast %add3A_47 : vector<400x128xf32> to vector<400x1x128xf32>
    %add3A_50 = vector.broadcast %broadcast_in_dim3A : vector<400x1x128xf32> to vector<400x16x128xf32>
    %add3A_51 = arith.addf %add3A_49, %add3A_50 : vector<400x16x128xf32>
    %logistic3A = arith.negf %add3A_51 : vector<400x16x128xf32>
    %logistic3A_52 = math.exp %logistic3A : vector<400x16x128xf32>
    %logistic3A_53 = arith.constant 1.000000e+00 : f32
    %logistic3A_54 = vector.broadcast %logistic3A_53 : f32 to vector<400x16x128xf32>
    %logistic3A_55 = arith.addf %logistic3A_54, %logistic3A_52 : vector<400x16x128xf32>
    %logistic3A_56 = arith.divf %logistic3A_54, %logistic3A_55 : vector<400x16x128xf32>
    %mul3A = arith.constant 1.000000e+01 : f32
    %mul3A_57 = vector.broadcast %mul3A : f32 to vector<400x16x128xf32>
    %mul3A_58 = arith.mulf %logistic3A_56, %mul3A_57 : vector<400x16x128xf32>
    %reshape3A_59 = vector.shape_cast %add3A_15 : vector<6400x128xf32> to vector<400x16x128xf32>
    %mul3A_60 = arith.mulf %mul3A_58, %reshape3A_59 : vector<400x16x128xf32>
    %reshape3A_61 = vector.shape_cast %add3A_23 : vector<6400x128xf32> to vector<400x16x128xf32>
    %mul3A_62 = arith.mulf %mul3A_60, %reshape3A_61 : vector<400x16x128xf32>
    %reduce_sum3A = arith.constant dense<0.000000e+00> : vector<400x128xf32>
    %reduce_sum3A_63 = vector.multi_reduction <add>, %mul3A_62, %reduce_sum3A [1] : vector<400x16x128xf32> to vector<400x128xf32>
    %get3A_64 = arith.constant 0 : index
    %get3A_65 = arith.constant 0 : index
    %get3A_66 = vector.load %arg7[%get3A_64, %get3A_65] : memref<128x128xf32, #tpu.memory_space<vmem>>, vector<128x128xf32>
    %dot_general3A_67 = arith.constant dense<0.000000e+00> : vector<400x128xf32>
    %dot_general3A_68 = tpu.matmul %get3A_7, %get3A_66, %dot_general3A_67 {dimension_numbers = #tpu.dot_dimension_numbers<[1], [0], [0], [1], [0, 0, 1, 1], [], []>, transpose_lhs_hint = false} : vector<400x128xf32>, vector<128x128xf32>, vector<400x128xf32> -> vector<400x128xf32>
    %slice3A_69 = vector.extract_strided_slice %get3A_10 {offsets = [5, 0], sizes = [1, 128], strides = [1, 1]} : vector<8x128xf32> to vector<1x128xf32>
    %add3A_70 = vector.broadcast %slice3A_69 : vector<1x128xf32> to vector<400x128xf32>
    %add3A_71 = arith.addf %dot_general3A_68, %add3A_70 : vector<400x128xf32>
    %mul3A_72 = arith.mulf %reduce_sum3A_63, %add3A_71 : vector<400x128xf32>
    %swap3A = arith.constant 0 : index
    %swap3A_73 = arith.constant 0 : index
    %swap3A_74 = vector.load %arg14[%swap3A, %swap3A_73] : memref<400x128xf32, #tpu.memory_space<vmem>>, vector<400x128xf32>
    tpu.vector_store %arg14[%swap3A, %swap3A_73], %mul3A_72 {strides = array<i32>} : memref<400x128xf32, #tpu.memory_space<vmem>>, vector<400x128xf32>,
    %concatenate3A = tpu.concatenate %get3A_1, %get3A_4 in 1 : vector<6400x128xf32>, vector<6400x16xf32> -> vector<6400x144xf32>
    %get3A_75 = arith.constant 0 : index
    %get3A_76 = arith.constant 0 : index
    %get3A_77 = vector.load %arg8[%get3A_75, %get3A_76] : memref<144x128xf32, #tpu.memory_space<vmem>>, vector<144x128xf32>
    %dot_general3A_78 = arith.constant dense<0.000000e+00> : vector<6400x128xf32>
    %dot_general3A_79 = tpu.matmul %concatenate3A, %get3A_77, %dot_general3A_78 {dimension_numbers = #tpu.dot_dimension_numbers<[1], [0], [0], [1], [0, 0, 1, 1], [], []>, transpose_lhs_hint = false} : vector<6400x144xf32>, vector<144x128xf32>, vector<6400x128xf32> -> vector<6400x128xf32>
    %slice3A_80 = vector.extract_strided_slice %get3A_10 {offsets = [6, 0], sizes = [1, 128], strides = [1, 1]} : vector<8x128xf32> to vector<1x128xf32>
    %add3A_81 = vector.broadcast %slice3A_80 : vector<1x128xf32> to vector<6400x128xf32>
    %add3A_82 = arith.addf %dot_general3A_79, %add3A_81 : vector<6400x128xf32>
    %max3A = arith.constant 0.000000e+00 : f32
    %max3A_83 = vector.broadcast %max3A : f32 to vector<6400x128xf32>
    %max3A_84 = arith.maximumf %add3A_82, %max3A_83 : vector<6400x128xf32>
    %reshape3A_85 = vector.shape_cast %max3A_84 : vector<6400x128xf32> to vector<400x16x128xf32>
    %reduce_sum3A_86 = arith.constant dense<0.000000e+00> : vector<400x128xf32>
    %reduce_sum3A_87 = vector.multi_reduction <add>, %reshape3A_85, %reduce_sum3A_86 [1] : vector<400x16x128xf32> to vector<400x128xf32>
    %concatenate3A_88 = tpu.concatenate %get3A_7, %reduce_sum3A_87 in 1 : vector<400x128xf32>, vector<400x128xf32> -> vector<400x256xf32>
    %get3A_89 = arith.constant 0 : index
    %get3A_90 = arith.constant 0 : index
    %get3A_91 = vector.load %arg9[%get3A_89, %get3A_90] : memref<256x128xf32, #tpu.memory_space<vmem>>, vector<256x128xf32>
    %dot_general3A_92 = arith.constant dense<0.000000e+00> : vector<400x128xf32>
    %dot_general3A_93 = tpu.matmul %concatenate3A_88, %get3A_91, %dot_general3A_92 {dimension_numbers = #tpu.dot_dimension_numbers<[1], [0], [0], [1], [0, 0, 1, 1], [], []>, transpose_lhs_hint = false} : vector<400x256xf32>, vector<256x128xf32>, vector<400x128xf32> -> vector<400x128xf32>
    %slice3A_94 = vector.extract_strided_slice %get3A_10 {offsets = [7, 0], sizes = [1, 128], strides = [1, 1]} : vector<8x128xf32> to vector<1x128xf32>
    %add3A_95 = vector.broadcast %slice3A_94 : vector<1x128xf32> to vector<400x128xf32>
    %add3A_96 = arith.addf %dot_general3A_93, %add3A_95 : vector<400x128xf32>
    %max3A_97 = arith.constant 0.000000e+00 : f32
    %max3A_98 = vector.broadcast %max3A_97 : f32 to vector<400x128xf32>
    %max3A_99 = arith.maximumf %add3A_96, %max3A_98 : vector<400x128xf32>
    %swap3A_100 = arith.constant 0 : index
    %swap3A_101 = arith.constant 0 : index
    %swap3A_102 = vector.load %arg13[%swap3A_100, %swap3A_101] : memref<400x128xf32, #tpu.memory_space<vmem>>, vector<400x128xf32>
    tpu.vector_store %arg13[%swap3A_100, %swap3A_101], %max3A_99 {strides = array<i32>} : memref<400x128xf32, #tpu.memory_space<vmem>>, vector<400x128xf32>,
    return
  }
  func.func @transform_0(%arg0: i32) -> (i32, i32) {
    %c0_i32 = arith.constant 0 : i32
    %c0_i32_0 = arith.constant 0 : i32
    return %arg0, %c0_i32 : i32, i32
  }
  func.func @transform_1(%arg0: i32) -> (i32, i32) {
    %c0_i32 = arith.constant 0 : i32
    %c0_i32_0 = arith.constant 0 : i32
    return %arg0, %c0_i32 : i32, i32
  }
  func.func @transform_2(%arg0: i32) -> (i32, i32) {
    %c0_i32 = arith.constant 0 : i32
    %c0_i32_0 = arith.constant 0 : i32
    return %arg0, %c0_i32 : i32, i32
  }
  func.func @transform_3(%arg0: i32) -> (i32, i32) {
    %c0_i32 = arith.constant 0 : i32
    %c0_i32_0 = arith.constant 0 : i32
    %c0_i32_1 = arith.constant 0 : i32
    return %c0_i32, %c0_i32_0 : i32, i32
  }
  func.func @transform_4(%arg0: i32) -> (i32, i32) {
    %c0_i32 = arith.constant 0 : i32
    %c0_i32_0 = arith.constant 0 : i32
    %c0_i32_1 = arith.constant 0 : i32
    return %c0_i32, %c0_i32_0 : i32, i32
  }
  func.func @transform_5(%arg0: i32) -> (i32, i32) {
    %c0_i32 = arith.constant 0 : i32
    %c0_i32_0 = arith.constant 0 : i32
    %c0_i32_1 = arith.constant 0 : i32
    return %c0_i32, %c0_i32_0 : i32, i32
  }
  func.func @transform_6(%arg0: i32) -> (i32, i32) {
    %c0_i32 = arith.constant 0 : i32
    %c0_i32_0 = arith.constant 0 : i32
    %c0_i32_1 = arith.constant 0 : i32
    return %c0_i32, %c0_i32_0 : i32, i32
  }
  func.func @transform_7(%arg0: i32) -> (i32, i32) {
    %c0_i32 = arith.constant 0 : i32
    %c0_i32_0 = arith.constant 0 : i32
    %c0_i32_1 = arith.constant 0 : i32
    return %c0_i32, %c0_i32_0 : i32, i32
  }
  func.func @transform_8(%arg0: i32) -> (i32, i32) {
    %c0_i32 = arith.constant 0 : i32
    %c0_i32_0 = arith.constant 0 : i32
    %c0_i32_1 = arith.constant 0 : i32
    return %c0_i32, %c0_i32_0 : i32, i32
  }
  func.func @transform_9(%arg0: i32) -> (i32, i32) {
    %c0_i32 = arith.constant 0 : i32
    %c0_i32_0 = arith.constant 0 : i32
    %c0_i32_1 = arith.constant 0 : i32
    return %c0_i32, %c0_i32_0 : i32, i32
  }
  func.func @transform_10(%arg0: i32) -> (i32, i32) {
    %c0_i32 = arith.constant 0 : i32
    %c0_i32_0 = arith.constant 0 : i32
    %c0_i32_1 = arith.constant 0 : i32
    return %c0_i32, %c0_i32_0 : i32, i32
  }
  func.func @transform_11(%arg0: i32) -> (i32, i32) {
    %c0_i32 = arith.constant 0 : i32
    %c0_i32_0 = arith.constant 0 : i32
    %c0_i32_1 = arith.constant 0 : i32
    return %c0_i32, %c0_i32_0 : i32, i32
  }
  func.func @transform_12(%arg0: i32) -> (i32, i32) {
    %c0_i32 = arith.constant 0 : i32
    %c0_i32_0 = arith.constant 0 : i32
    return %arg0, %c0_i32 : i32, i32
  }
  func.func @transform_13(%arg0: i32) -> (i32, i32) {
    %c0_i32 = arith.constant 0 : i32
    %c0_i32_0 = arith.constant 0 : i32
    return %arg0, %c0_i32 : i32, i32
  }
}

module attributes {stable_mosaic.version = 14 : i64} {
  func.func @_readout_body(%arg0: memref<10000x128xf32, #tpu.memory_space<vmem>>, %arg1: memref<1x10000xi32, #tpu.memory_space<vmem>>, %arg2: memref<64x1xf32, #tpu.memory_space<vmem>>, %arg3: memref<64x1xf32, #tpu.memory_space<vmem>>, %arg4: memref<128x128xf32, #tpu.memory_space<vmem>>, %arg5: memref<1x128xf32, #tpu.memory_space<vmem>>, %arg6: memref<128x128xf32, #tpu.memory_space<vmem>>, %arg7: memref<1x128xf32, #tpu.memory_space<vmem>>, %arg8: memref<128x1xf32, #tpu.memory_space<vmem>>, %arg9: memref<1x1xf32, #tpu.memory_space<vmem>>, %arg10: memref<128x1xf32, #tpu.memory_space<vmem>>, %arg11: memref<1x1xf32, #tpu.memory_space<vmem>>, %arg12: memref<2x1xf32, #tpu.memory_space<vmem>>, %arg13: memref<64x1xf32, #tpu.memory_space<vmem>>, %arg14: memref<64x1xf32, #tpu.memory_space<vmem>>, %arg15: memref<1x1xf32, #tpu.memory_space<vmem>>) attributes {dimension_semantics = [], scalar_prefetch = 0 : i64, scratch_operands = 0 : i64, tpu.core_type = #tpu.core_type<tc>} {
    %get3A = arith.constant 0 : index
    %get3A_0 = arith.constant 0 : index
    %get3A_1 = vector.load %arg0[%get3A, %get3A_0] : memref<10000x128xf32, #tpu.memory_space<vmem>>, vector<10000x128xf32>
    %get3A_2 = arith.constant 0 : index
    %get3A_3 = arith.constant 0 : index
    %get3A_4 = vector.load %arg1[%get3A_2, %get3A_3] : memref<1x10000xi32, #tpu.memory_space<vmem>>, vector<1x10000xi32>
    %iota3A = tpu.iota {dimensions = array<i32: 0>} : vector<64x10000xi32>
    %eq3A = vector.broadcast %get3A_4 : vector<1x10000xi32> to vector<64x10000xi32>
    %eq3A_5 = arith.cmpi eq, %iota3A, %eq3A : vector<64x10000xi32>
    %convert_element_type3A = arith.extui %eq3A_5 : vector<64x10000xi1> to vector<64x10000xi32>
    %convert_element_type3A_6 = arith.sitofp %convert_element_type3A : vector<64x10000xi32> to vector<64x10000xf32>
    %dot_general3A = arith.constant dense<0.000000e+00> : vector<64x128xf32>
    %dot_general3A_7 = tpu.matmul %convert_element_type3A_6, %get3A_1, %dot_general3A {dimension_numbers = #tpu.dot_dimension_numbers<[1], [0], [0], [1], [0, 0, 1, 1], [], []>, precision = #tpu.contract_precision<fp32>, transpose_lhs_hint = false} : vector<64x10000xf32>, vector<10000x128xf32>, vector<64x128xf32> -> vector<64x128xf32>
    %reduce_sum3A = arith.constant dense<0.000000e+00> : vector<64xf32>
    %reduce_sum3A_8 = vector.multi_reduction <add>, %convert_element_type3A_6, %reduce_sum3A [1] : vector<64x10000xf32> to vector<64xf32>
    %broadcast_in_dim3A = vector.shape_cast %reduce_sum3A_8 : vector<64xf32> to vector<64x1xf32>
    %max3A = arith.constant 1.000000e+00 : f32
    %max3A_9 = vector.broadcast %max3A : f32 to vector<64x1xf32>
    %max3A_10 = arith.maximumf %broadcast_in_dim3A, %max3A_9 : vector<64x1xf32>
    %div3A = vector.broadcast %max3A_10 : vector<64x1xf32> to vector<64x128xf32>
    %div3A_11 = arith.divf %dot_general3A_7, %div3A : vector<64x128xf32>
    %get3A_12 = arith.constant 0 : index
    %get3A_13 = arith.constant 0 : index
    %get3A_14 = vector.load %arg12[%get3A_12, %get3A_13] : memref<2x1xf32, #tpu.memory_space<vmem>>, vector<1x1xf32>
    %get3A_15 = vector.extract %get3A_14[0, 0] : f32 from vector<1x1xf32>
    %logistic3A = arith.negf %get3A_15 : f32
    %logistic3A_16 = math.exp %logistic3A : f32
    %logistic3A_17 = arith.constant 1.000000e+00 : f32
    %logistic3A_18 = arith.addf %logistic3A_17, %logistic3A_16 : f32
    %logistic3A_19 = arith.divf %logistic3A_17, %logistic3A_18 : f32
    %get3A_20 = arith.constant 1 : index
    %get3A_21 = arith.constant 0 : index
    %get3A_22 = vector.load %arg12[%get3A_20, %get3A_21] : memref<2x1xf32, #tpu.memory_space<vmem>>, vector<1x1xf32>
    %get3A_23 = vector.extract %get3A_22[0, 0] : f32 from vector<1x1xf32>
    %logistic3A_24 = arith.negf %get3A_23 : f32
    %logistic3A_25 = math.exp %logistic3A_24 : f32
    %logistic3A_26 = arith.constant 1.000000e+00 : f32
    %logistic3A_27 = arith.addf %logistic3A_26, %logistic3A_25 : f32
    %logistic3A_28 = arith.divf %logistic3A_26, %logistic3A_27 : f32
    %get3A_29 = arith.constant 0 : index
    %get3A_30 = arith.constant 0 : index
    %get3A_31 = vector.load %arg2[%get3A_29, %get3A_30] : memref<64x1xf32, #tpu.memory_space<vmem>>, vector<64x1xf32>
    %add3A = arith.constant 1.000000e-07 : f32
    %add3A_32 = arith.addf %logistic3A_19, %add3A : f32
    %log3A = math.log %add3A_32 : f32
    %sub3A = arith.constant 1.000000e+00 : f32
    %sub3A_33 = arith.subf %sub3A, %logistic3A_19 : f32
    %add3A_34 = arith.constant 1.000000e-07 : f32
    %add3A_35 = arith.addf %sub3A_33, %add3A_34 : f32
    %log3A_36 = math.log %add3A_35 : f32
    %sub3A_37 = arith.subf %log3A, %log3A_36 : f32
    %add3A_38 = arith.constant 1.000000e-07 : f32
    %add3A_39 = vector.broadcast %add3A_38 : f32 to vector<64x1xf32>
    %add3A_40 = arith.addf %get3A_31, %add3A_39 : vector<64x1xf32>
    %log3A_41 = math.log %add3A_40 : vector<64x1xf32>
    %add3A_42 = vector.broadcast %sub3A_37 : f32 to vector<64x1xf32>
    %add3A_43 = arith.addf %add3A_42, %log3A_41 : vector<64x1xf32>
    %sub3A_44 = arith.constant 1.000000e+00 : f32
    %sub3A_45 = vector.broadcast %sub3A_44 : f32 to vector<64x1xf32>
    %sub3A_46 = arith.subf %sub3A_45, %get3A_31 : vector<64x1xf32>
    %add3A_47 = arith.constant 1.000000e-07 : f32
    %add3A_48 = vector.broadcast %add3A_47 : f32 to vector<64x1xf32>
    %add3A_49 = arith.addf %sub3A_46, %add3A_48 : vector<64x1xf32>
    %log3A_50 = math.log %add3A_49 : vector<64x1xf32>
    %sub3A_51 = arith.subf %add3A_43, %log3A_50 : vector<64x1xf32>
    %div3A_52 = arith.constant 1.000000e-01 : f32
    %div3A_53 = vector.broadcast %div3A_52 : f32 to vector<64x1xf32>
    %div3A_54 = arith.divf %sub3A_51, %div3A_53 : vector<64x1xf32>
    %logistic3A_55 = arith.negf %div3A_54 : vector<64x1xf32>
    %logistic3A_56 = math.exp %logistic3A_55 : vector<64x1xf32>
    %logistic3A_57 = arith.constant 1.000000e+00 : f32
    %logistic3A_58 = vector.broadcast %logistic3A_57 : f32 to vector<64x1xf32>
    %logistic3A_59 = arith.addf %logistic3A_58, %logistic3A_56 : vector<64x1xf32>
    %logistic3A_60 = arith.divf %logistic3A_58, %logistic3A_59 : vector<64x1xf32>
    %sub3A_61 = arith.constant 1.000000e+00 : f32
    %sub3A_62 = vector.broadcast %sub3A_61 : f32 to vector<64x1xf32>
    %sub3A_63 = arith.subf %sub3A_62, %logistic3A_60 : vector<64x1xf32>
    %mul3A = vector.broadcast %sub3A_63 : vector<64x1xf32> to vector<64x128xf32>
    %mul3A_64 = arith.mulf %div3A_11, %mul3A : vector<64x128xf32>
    %sub3A_65 = arith.constant 1.000000e+00 : f32
    %sub3A_66 = arith.subf %sub3A_65, %logistic3A_19 : f32
    %div3A_67 = vector.broadcast %sub3A_66 : f32 to vector<64x128xf32>
    %div3A_68 = arith.divf %mul3A_64, %div3A_67 : vector<64x128xf32>
    %convert_element_type3A_69 = arith.truncf %div3A_68 : vector<64x128xf32> to vector<64x128xbf16>
    %get3A_70 = arith.constant 0 : index
    %get3A_71 = arith.constant 0 : index
    %get3A_72 = vector.load %arg4[%get3A_70, %get3A_71] : memref<128x128xf32, #tpu.memory_space<vmem>>, vector<128x128xf32>
    %convert_element_type3A_73 = arith.truncf %get3A_72 : vector<128x128xf32> to vector<128x128xbf16>
    %dot_general3A_74 = arith.constant dense<0.000000e+00> : vector<64x128xf32>
    %dot_general3A_75 = tpu.matmul %convert_element_type3A_69, %convert_element_type3A_73, %dot_general3A_74 {dimension_numbers = #tpu.dot_dimension_numbers<[1], [0], [0], [1], [0, 0, 1, 1], [], []>, transpose_lhs_hint = false} : vector<64x128xbf16>, vector<128x128xbf16>, vector<64x128xf32> -> vector<64x128xf32>
    %get3A_76 = arith.constant 0 : index
    %get3A_77 = arith.constant 0 : index
    %get3A_78 = vector.load %arg5[%get3A_76, %get3A_77] : memref<1x128xf32, #tpu.memory_space<vmem>>, vector<1x128xf32>
    %add3A_79 = vector.broadcast %get3A_78 : vector<1x128xf32> to vector<64x128xf32>
    %add3A_80 = arith.addf %dot_general3A_75, %add3A_79 : vector<64x128xf32>
    %max3A_81 = arith.constant 0.000000e+00 : f32
    %max3A_82 = vector.broadcast %max3A_81 : f32 to vector<64x128xf32>
    %max3A_83 = arith.maximumf %add3A_80, %max3A_82 : vector<64x128xf32>
    %get3A_84 = arith.constant 0 : index
    %get3A_85 = arith.constant 0 : index
    %get3A_86 = vector.load %arg3[%get3A_84, %get3A_85] : memref<64x1xf32, #tpu.memory_space<vmem>>, vector<64x1xf32>
    %add3A_87 = arith.constant 1.000000e-07 : f32
    %add3A_88 = arith.addf %logistic3A_28, %add3A_87 : f32
    %log3A_89 = math.log %add3A_88 : f32
    %sub3A_90 = arith.constant 1.000000e+00 : f32
    %sub3A_91 = arith.subf %sub3A_90, %logistic3A_28 : f32
    %add3A_92 = arith.constant 1.000000e-07 : f32
    %add3A_93 = arith.addf %sub3A_91, %add3A_92 : f32
    %log3A_94 = math.log %add3A_93 : f32
    %sub3A_95 = arith.subf %log3A_89, %log3A_94 : f32
    %add3A_96 = arith.constant 1.000000e-07 : f32
    %add3A_97 = vector.broadcast %add3A_96 : f32 to vector<64x1xf32>
    %add3A_98 = arith.addf %get3A_86, %add3A_97 : vector<64x1xf32>
    %log3A_99 = math.log %add3A_98 : vector<64x1xf32>
    %add3A_100 = vector.broadcast %sub3A_95 : f32 to vector<64x1xf32>
    %add3A_101 = arith.addf %add3A_100, %log3A_99 : vector<64x1xf32>
    %sub3A_102 = arith.constant 1.000000e+00 : f32
    %sub3A_103 = vector.broadcast %sub3A_102 : f32 to vector<64x1xf32>
    %sub3A_104 = arith.subf %sub3A_103, %get3A_86 : vector<64x1xf32>
    %add3A_105 = arith.constant 1.000000e-07 : f32
    %add3A_106 = vector.broadcast %add3A_105 : f32 to vector<64x1xf32>
    %add3A_107 = arith.addf %sub3A_104, %add3A_106 : vector<64x1xf32>
    %log3A_108 = math.log %add3A_107 : vector<64x1xf32>
    %sub3A_109 = arith.subf %add3A_101, %log3A_108 : vector<64x1xf32>
    %div3A_110 = arith.constant 1.000000e-01 : f32
    %div3A_111 = vector.broadcast %div3A_110 : f32 to vector<64x1xf32>
    %div3A_112 = arith.divf %sub3A_109, %div3A_111 : vector<64x1xf32>
    %logistic3A_113 = arith.negf %div3A_112 : vector<64x1xf32>
    %logistic3A_114 = math.exp %logistic3A_113 : vector<64x1xf32>
    %logistic3A_115 = arith.constant 1.000000e+00 : f32
    %logistic3A_116 = vector.broadcast %logistic3A_115 : f32 to vector<64x1xf32>
    %logistic3A_117 = arith.addf %logistic3A_116, %logistic3A_114 : vector<64x1xf32>
    %logistic3A_118 = arith.divf %logistic3A_116, %logistic3A_117 : vector<64x1xf32>
    %sub3A_119 = arith.constant 1.000000e+00 : f32
    %sub3A_120 = vector.broadcast %sub3A_119 : f32 to vector<64x1xf32>
    %sub3A_121 = arith.subf %sub3A_120, %logistic3A_118 : vector<64x1xf32>
    %mul3A_122 = vector.broadcast %sub3A_121 : vector<64x1xf32> to vector<64x128xf32>
    %mul3A_123 = arith.mulf %max3A_83, %mul3A_122 : vector<64x128xf32>
    %sub3A_124 = arith.constant 1.000000e+00 : f32
    %sub3A_125 = arith.subf %sub3A_124, %logistic3A_28 : f32
    %div3A_126 = vector.broadcast %sub3A_125 : f32 to vector<64x128xf32>
    %div3A_127 = arith.divf %mul3A_123, %div3A_126 : vector<64x128xf32>
    %convert_element_type3A_128 = arith.truncf %div3A_127 : vector<64x128xf32> to vector<64x128xbf16>
    %get3A_129 = arith.constant 0 : index
    %get3A_130 = arith.constant 0 : index
    %get3A_131 = vector.load %arg6[%get3A_129, %get3A_130] : memref<128x128xf32, #tpu.memory_space<vmem>>, vector<128x128xf32>
    %convert_element_type3A_132 = arith.truncf %get3A_131 : vector<128x128xf32> to vector<128x128xbf16>
    %dot_general3A_133 = arith.constant dense<0.000000e+00> : vector<64x128xf32>
    %dot_general3A_134 = tpu.matmul %convert_element_type3A_128, %convert_element_type3A_132, %dot_general3A_133 {dimension_numbers = #tpu.dot_dimension_numbers<[1], [0], [0], [1], [0, 0, 1, 1], [], []>, transpose_lhs_hint = false} : vector<64x128xbf16>, vector<128x128xbf16>, vector<64x128xf32> -> vector<64x128xf32>
    %get3A_135 = arith.constant 0 : index
    %get3A_136 = arith.constant 0 : index
    %get3A_137 = vector.load %arg7[%get3A_135, %get3A_136] : memref<1x128xf32, #tpu.memory_space<vmem>>, vector<1x128xf32>
    %add3A_138 = vector.broadcast %get3A_137 : vector<1x128xf32> to vector<64x128xf32>
    %add3A_139 = arith.addf %dot_general3A_134, %add3A_138 : vector<64x128xf32>
    %max3A_140 = arith.constant 0.000000e+00 : f32
    %max3A_141 = vector.broadcast %max3A_140 : f32 to vector<64x128xf32>
    %max3A_142 = arith.maximumf %add3A_139, %max3A_141 : vector<64x128xf32>
    %convert_element_type3A_143 = arith.truncf %max3A_142 : vector<64x128xf32> to vector<64x128xbf16>
    %get3A_144 = arith.constant 0 : index
    %get3A_145 = arith.constant 0 : index
    %get3A_146 = vector.load %arg8[%get3A_144, %get3A_145] : memref<128x1xf32, #tpu.memory_space<vmem>>, vector<128x1xf32>
    %convert_element_type3A_147 = arith.truncf %get3A_146 : vector<128x1xf32> to vector<128x1xbf16>
    %dot_general3A_148 = arith.constant dense<0.000000e+00> : vector<64x1xf32>
    %dot_general3A_149 = tpu.matmul %convert_element_type3A_143, %convert_element_type3A_147, %dot_general3A_148 {dimension_numbers = #tpu.dot_dimension_numbers<[1], [0], [0], [1], [0, 0, 1, 1], [], []>, transpose_lhs_hint = false} : vector<64x128xbf16>, vector<128x1xbf16>, vector<64x1xf32> -> vector<64x1xf32>
    %get3A_150 = arith.constant 0 : index
    %get3A_151 = arith.constant 0 : index
    %get3A_152 = vector.load %arg9[%get3A_150, %get3A_151] : memref<1x1xf32, #tpu.memory_space<vmem>>, vector<1x1xf32>
    %add3A_153 = vector.broadcast %get3A_152 : vector<1x1xf32> to vector<64x1xf32>
    %add3A_154 = arith.addf %dot_general3A_149, %add3A_153 : vector<64x1xf32>
    %swap3A = arith.constant 0 : index
    %swap3A_155 = arith.constant 0 : index
    %swap3A_156 = vector.load %arg13[%swap3A, %swap3A_155] : memref<64x1xf32, #tpu.memory_space<vmem>>, vector<64x1xf32>
    tpu.vector_store %arg13[%swap3A, %swap3A_155], %add3A_154 {strides = array<i32>} : memref<64x1xf32, #tpu.memory_space<vmem>>, vector<64x1xf32>,
    %convert_element_type3A_157 = arith.truncf %max3A_142 : vector<64x128xf32> to vector<64x128xbf16>
    %get3A_158 = arith.constant 0 : index
    %get3A_159 = arith.constant 0 : index
    %get3A_160 = vector.load %arg10[%get3A_158, %get3A_159] : memref<128x1xf32, #tpu.memory_space<vmem>>, vector<128x1xf32>
    %convert_element_type3A_161 = arith.truncf %get3A_160 : vector<128x1xf32> to vector<128x1xbf16>
    %dot_general3A_162 = arith.constant dense<0.000000e+00> : vector<64x1xf32>
    %dot_general3A_163 = tpu.matmul %convert_element_type3A_157, %convert_element_type3A_161, %dot_general3A_162 {dimension_numbers = #tpu.dot_dimension_numbers<[1], [0], [0], [1], [0, 0, 1, 1], [], []>, transpose_lhs_hint = false} : vector<64x128xbf16>, vector<128x1xbf16>, vector<64x1xf32> -> vector<64x1xf32>
    %get3A_164 = arith.constant 0 : index
    %get3A_165 = arith.constant 0 : index
    %get3A_166 = vector.load %arg11[%get3A_164, %get3A_165] : memref<1x1xf32, #tpu.memory_space<vmem>>, vector<1x1xf32>
    %add3A_167 = vector.broadcast %get3A_166 : vector<1x1xf32> to vector<64x1xf32>
    %add3A_168 = arith.addf %dot_general3A_163, %add3A_167 : vector<64x1xf32>
    %swap3A_169 = arith.constant 0 : index
    %swap3A_170 = arith.constant 0 : index
    %swap3A_171 = vector.load %arg14[%swap3A_169, %swap3A_170] : memref<64x1xf32, #tpu.memory_space<vmem>>, vector<64x1xf32>
    tpu.vector_store %arg14[%swap3A_169, %swap3A_170], %add3A_168 {strides = array<i32>} : memref<64x1xf32, #tpu.memory_space<vmem>>, vector<64x1xf32>,
    %get3A_172 = arith.constant 0 : index
    %get3A_173 = arith.constant 0 : index
    %get3A_174 = vector.load %arg4[%get3A_172, %get3A_173] : memref<128x128xf32, #tpu.memory_space<vmem>>, vector<128x128xf32>
    %integer_pow3A = arith.mulf %get3A_174, %get3A_174 : vector<128x128xf32>
    %reduce_sum3A_175 = vector.shape_cast %integer_pow3A : vector<128x128xf32> to vector<1x128x128xf32>
    %reduce_sum3A_176 = arith.constant dense<0.000000e+00> : vector<1xf32>
    %reduce_sum3A_177 = vector.multi_reduction <add>, %reduce_sum3A_175, %reduce_sum3A_176 [1, 2] : vector<1x128x128xf32> to vector<1xf32>
    %reduce_sum3A_178 = vector.shape_cast %reduce_sum3A_177 : vector<1xf32> to vector<1x1x1xf32>
    %reduce_sum3A_179 = vector.extract %reduce_sum3A_178[0, 0, 0] : f32 from vector<1x1x1xf32>
    %get3A_180 = arith.constant 0 : index
    %get3A_181 = arith.constant 0 : index
    %get3A_182 = vector.load %arg5[%get3A_180, %get3A_181] : memref<1x128xf32, #tpu.memory_space<vmem>>, vector<1x128xf32>
    %integer_pow3A_183 = arith.mulf %get3A_182, %get3A_182 : vector<1x128xf32>
    %reduce_sum3A_184 = vector.shape_cast %integer_pow3A_183 : vector<1x128xf32> to vector<1x1x128xf32>
    %reduce_sum3A_185 = arith.constant dense<0.000000e+00> : vector<1xf32>
    %reduce_sum3A_186 = vector.multi_reduction <add>, %reduce_sum3A_184, %reduce_sum3A_185 [1, 2] : vector<1x1x128xf32> to vector<1xf32>
    %reduce_sum3A_187 = vector.shape_cast %reduce_sum3A_186 : vector<1xf32> to vector<1x1x1xf32>
    %reduce_sum3A_188 = vector.extract %reduce_sum3A_187[0, 0, 0] : f32 from vector<1x1x1xf32>
    %add3A_189 = arith.addf %reduce_sum3A_179, %reduce_sum3A_188 : f32
    %mul3A_190 = arith.constant 9.99999997E-7 : f32
    %mul3A_191 = arith.mulf %mul3A_190, %add3A_189 : f32
    %sub3A_192 = arith.constant 1.000000e+00 : f32
    %sub3A_193 = arith.subf %sub3A_192, %logistic3A_19 : f32
    %div3A_194 = arith.divf %mul3A_191, %sub3A_193 : f32
    %mul3A_195 = arith.constant 9.99999974E-6 : f32
    %mul3A_196 = arith.constant 1.280000e+02 : f32
    %mul3A_197 = arith.mulf %mul3A_195, %mul3A_196 : f32
    %log3A_198 = math.log %logistic3A_19 : f32
    %mul3A_199 = arith.mulf %logistic3A_19, %log3A_198 : f32
    %sub3A_200 = arith.constant 1.000000e+00 : f32
    %sub3A_201 = arith.subf %sub3A_200, %logistic3A_19 : f32
    %sub3A_202 = arith.constant 1.000000e+00 : f32
    %sub3A_203 = arith.subf %sub3A_202, %logistic3A_19 : f32
    %log3A_204 = math.log %sub3A_203 : f32
    %mul3A_205 = arith.mulf %sub3A_201, %log3A_204 : f32
    %add3A_206 = arith.addf %mul3A_199, %mul3A_205 : f32
    %mul3A_207 = arith.mulf %mul3A_197, %add3A_206 : f32
    %add3A_208 = arith.addf %div3A_194, %mul3A_207 : f32
    %get3A_209 = arith.constant 0 : index
    %get3A_210 = arith.constant 0 : index
    %get3A_211 = vector.load %arg6[%get3A_209, %get3A_210] : memref<128x128xf32, #tpu.memory_space<vmem>>, vector<128x128xf32>
    %integer_pow3A_212 = arith.mulf %get3A_211, %get3A_211 : vector<128x128xf32>
    %reduce_sum3A_213 = vector.shape_cast %integer_pow3A_212 : vector<128x128xf32> to vector<1x128x128xf32>
    %reduce_sum3A_214 = arith.constant dense<0.000000e+00> : vector<1xf32>
    %reduce_sum3A_215 = vector.multi_reduction <add>, %reduce_sum3A_213, %reduce_sum3A_214 [1, 2] : vector<1x128x128xf32> to vector<1xf32>
    %reduce_sum3A_216 = vector.shape_cast %reduce_sum3A_215 : vector<1xf32> to vector<1x1x1xf32>
    %reduce_sum3A_217 = vector.extract %reduce_sum3A_216[0, 0, 0] : f32 from vector<1x1x1xf32>
    %get3A_218 = arith.constant 0 : index
    %get3A_219 = arith.constant 0 : index
    %get3A_220 = vector.load %arg7[%get3A_218, %get3A_219] : memref<1x128xf32, #tpu.memory_space<vmem>>, vector<1x128xf32>
    %integer_pow3A_221 = arith.mulf %get3A_220, %get3A_220 : vector<1x128xf32>
    %reduce_sum3A_222 = vector.shape_cast %integer_pow3A_221 : vector<1x128xf32> to vector<1x1x128xf32>
    %reduce_sum3A_223 = arith.constant dense<0.000000e+00> : vector<1xf32>
    %reduce_sum3A_224 = vector.multi_reduction <add>, %reduce_sum3A_222, %reduce_sum3A_223 [1, 2] : vector<1x1x128xf32> to vector<1xf32>
    %reduce_sum3A_225 = vector.shape_cast %reduce_sum3A_224 : vector<1xf32> to vector<1x1x1xf32>
    %reduce_sum3A_226 = vector.extract %reduce_sum3A_225[0, 0, 0] : f32 from vector<1x1x1xf32>
    %add3A_227 = arith.addf %reduce_sum3A_217, %reduce_sum3A_226 : f32
    %mul3A_228 = arith.constant 9.99999997E-7 : f32
    %mul3A_229 = arith.mulf %mul3A_228, %add3A_227 : f32
    %sub3A_230 = arith.constant 1.000000e+00 : f32
    %sub3A_231 = arith.subf %sub3A_230, %logistic3A_28 : f32
    %div3A_232 = arith.divf %mul3A_229, %sub3A_231 : f32
    %mul3A_233 = arith.constant 9.99999974E-6 : f32
    %mul3A_234 = arith.constant 1.280000e+02 : f32
    %mul3A_235 = arith.mulf %mul3A_233, %mul3A_234 : f32
    %log3A_236 = math.log %logistic3A_28 : f32
    %mul3A_237 = arith.mulf %logistic3A_28, %log3A_236 : f32
    %sub3A_238 = arith.constant 1.000000e+00 : f32
    %sub3A_239 = arith.subf %sub3A_238, %logistic3A_28 : f32
    %sub3A_240 = arith.constant 1.000000e+00 : f32
    %sub3A_241 = arith.subf %sub3A_240, %logistic3A_28 : f32
    %log3A_242 = math.log %sub3A_241 : f32
    %mul3A_243 = arith.mulf %sub3A_239, %log3A_242 : f32
    %add3A_244 = arith.addf %mul3A_237, %mul3A_243 : f32
    %mul3A_245 = arith.mulf %mul3A_235, %add3A_244 : f32
    %add3A_246 = arith.addf %div3A_232, %mul3A_245 : f32
    %add3A_247 = arith.addf %add3A_208, %add3A_246 : f32
    %broadcast_in_dim3A_248 = vector.broadcast %add3A_247 : f32 to vector<1x1xf32>
    %swap3A_249 = arith.constant 0 : index
    %swap3A_250 = arith.constant 0 : index
    %swap3A_251 = vector.load %arg15[%swap3A_249, %swap3A_250] : memref<1x1xf32, #tpu.memory_space<vmem>>, vector<1x1xf32>
    tpu.vector_store %arg15[%swap3A_249, %swap3A_250], %broadcast_in_dim3A_248 {strides = array<i32>} : memref<1x1xf32, #tpu.memory_space<vmem>>, vector<1x1xf32>,
    return
  }
}

</mosaic_0001>

<sc_bundles>
// kernel: kernel.11.cloned.1.call-start
scs
__scs_entry_jumppad:
0x0: {  	(pc) =	sbr.rel $0x88, $3  }
0x1: {  	(tag) =	ssettag $0x0;
	lr =	simm.s32 $0x1  }
0x2: {  	[smem:$0x3F80] =	sst lr;
	_ =	strace $0xD0000000  }
0x3: {  	_ = 	snop  }
0x4: {  	_ = 	snop  }
0x5: {  	_ = 	snop  }
0x6: {  	_ = 	snop  }
0x7: {  	_ = 	snop  }
__scs_overlays_trampoline_lowered:
0x8: {  	[smem:$0x3F8F] =	sst s0  }
0x9: {  	[smem:$0x3F90] =	sst s1  }
0xa: {  	[smem:$0x3F91] =	sst s2  }
0xb: {  	[smem:$0x3F92] =	sst s3  }
0xc: {  	[smem:$0x3F93] =	sst s4  }
0xd: {  	[smem:$0x3F94] =	sst s5  }
0xe: {  	[smem:$0x3F95] =	sst s6  }
0xf: {  	[smem:$0x3F96] =	sst s7  }
0x10: {  	[smem:$0x3F97] =	sst s8  }
0x11: {  	[smem:$0x3F98] =	sst s9;
	s0 =	simm.s32 @!p0 $0x0  }
0x12: {  	s1 =	sld [smem:$0x3F7E];
	s0 =	simm.s32 @p0 $0x1  }
0x13: {  	[smem:$0x3F99] =	sst s0;
	s0 =	simm.s32 @!p1 $0x0  }
0x14: {  	s2 =	sld [smem:$0x3F7D];
	s0 =	simm.s32 @p1 $0x1  }
0x15: {  	[smem:$0x3F9A] =	sst s0;
	s0 =	simm.s32 @!p2 $0x0  }
0x16: {  	s3 =	sld [smem:$0x3FDB];
	s0 =	simm.s32 @p2 $0x1  }
0x17: {  	s4 =	simm.s32 $0x1BF5;
	[smem:$0x3F9C] =	sst s0  }
0x18: {  	s0 =	sld [smem:$0x3F7F];
	_ =	swait.ge [sflag:s4], $0x0  }
0x19: {  	s7 =	sld [smem:$0x3F80]  }
0x1a: {  	s8 =	sadd.s32 $0xFFFFE003, lr  }
0x1b: {  	s9 =	sadd.s32 $0xFFFFFEF7, lr;
	s5 =	simm.s32 $0xFFFFFFFF;
	p2 =	slt.u32 s8, $0xFFFFF086  }
0x1c: {  	p1 =	slt.u32 s9, $0xF7A;
	s5 =	simm.s32 @!p2 $0x0  }
0x1d: {  	s5 =	simm.s32 @p1 $0x1;
	p0 =	seq.s32 s7, s2  }
0x1e: {  	s7 =	smul.u32 @!p0 $0xF7A, s2;
	p2 =	seq.s32 @!p0 s5, $0x0  }
0x1f: {  	s9 =	smul.u32 $0xF7A, s1;
	s8 =	simm.s32 @!p0 $0x1BF5;
	p2 =	por !p2, p0  }
0x20: {  	[sflag:s8] =	ssyncset.s32 @!p0 $0xFFFFF086;
	s6 =	sadd.s32 @!p0 s3, s7;
	s7 =	simm.s32 @!p0 $0x108  }
0x21: {  	s3 =	sadd.s32 s3, s9;
	s6 =	sadd.s32 @!p0 $0x88, s6;
	s7 =	simm.s32 @p2 $0x1082  }
0x22: {  	[simem:s7], [sflag:s8] =	dma.local @!p0 [hbm:s6], $0xF7A  }
0x23: {  	s9 =	sor.u32 $0xD0000000, s2;
	s6 =	simm.s32 $0x108;
	_ =	swait.ge @!p0 [sflag:s8], $0x0  }
0x24: {  	s3 =	sadd.s32 $0x88, s3;
	s6 =	simm.s32 @!p1 $0x1082;
	[sflag:s4] =	ssyncset.s32 $0xFFFFF086  }
0x25: {  	[simem:s6], [sflag:s4] =	dma.local [hbm:s3], $0xF7A  }
0x26: {  	[smem:$0x3F80] =	sst s1;
	(tag) =	ssettag s2;
	_ =	strace s9  }
0x27: {  	s1 =	sld [smem:$0x3F90]  }
0x28: {  	s2 =	sld [smem:$0x3F91]  }
0x29: {  	s4 =	sld [smem:$0x3F93]  }
0x2a: {  	p0 =	seq.s32 s5, $0x0;
	s5 =	sld [smem:$0x3F94]  }
0x2b: {  	s6 =	sld [smem:$0x3F95]  }
0x2c: {  	s7 =	sld [smem:$0x3F96]  }
0x2d: {  	s3 =	simm.s32 $0x108;
	s8 =	sld [smem:$0x3F97]  }
0x2e: {  	s3 =	simm.s32 @!p0 $0x1082;
	s9 =	sld [smem:$0x3F98]  }
0x2f: {  	lr =	sadd.s32 s0, s3;
	s0 =	sld [smem:$0x3F8F]  }
0x30: {  	s3 =	sld [smem:$0x3F92]  }
0x31: {  	[smem:$0x3F9B] =	sst s10  }
0x32: {  	s10 =	sld [smem:$0x3F99];
	_ =	sdelay $0x3  }
0x33: {  	p0 =	seq.s32 s10, $0x1;
	s10 =	sld [smem:$0x3F9B];
	_ =	sdelay $0x3  }
0x34: {  	[smem:$0x3F9B] =	sst s10  }
0x35: {  	s10 =	sld [smem:$0x3F9A];
	_ =	sdelay $0x3  }
0x36: {  	p1 =	seq.s32 s10, $0x1;
	s10 =	sld [smem:$0x3F9B];
	_ =	sdelay $0x3  }
0x37: {  	[smem:$0x3F9B] =	sst s10  }
0x38: {  	s10 =	sld [smem:$0x3F9C]  }
0x39: {  	_ = 	snop;
	(pc) =	sbr.ind lr, $3  }
0x3a: {  	_ = 	snop  }
0x3b: {  	_ = 	snop  }
0x3c: {  	p2 =	seq.s32 s10, $0x1;
	s10 =	sld [smem:$0x3F9B]  }
0x3d: {  	_ =	shalt  }
0x3e: {  	_ =	shalt  }
0x3f: {  	_ =	shalt  }
0x40: {  	_ =	shalt  }
0x41: {  	_ =	shalt  }
0x42: {  	_ =	shalt  }
0x43: {  	_ =	shalt  }
0x44: {  	_ =	shalt  }
0x45: {  	_ =	shalt  }
0x46: {  	_ =	shalt  }
0x47: {  	_ =	shalt  }
0x48: {  	_ =	shalt  }
0x49: {  	_ =	shalt  }
0x4a: {  	_ =	shalt  }
0x4b: {  	_ =	shalt  }
0x4c: {  	_ =	shalt  }
0x4d: {  	_ =	shalt  }
0x4e: {  	_ =	shalt  }
0x4f: {  	_ =	shalt  }
0x50: {  	_ =	shalt  }
0x51: {  	_ =	shalt  }
0x52: {  	_ =	shalt  }
0x53: {  	_ =	shalt  }
0x54: {  	_ =	shalt  }
0x55: {  	_ =	shalt  }
0x56: {  	_ =	shalt  }
0x57: {  	_ =	shalt  }
0x58: {  	_ =	shalt  }
0x59: {  	_ =	shalt  }
0x5a: {  	_ =	shalt  }
0x5b: {  	_ =	shalt  }
0x5c: {  	_ =	shalt  }
0x5d: {  	_ =	shalt  }
0x5e: {  	_ =	shalt  }
0x5f: {  	_ =	shalt  }
0x60: {  	_ =	shalt  }
0x61: {  	_ =	shalt  }
0x62: {  	_ =	shalt  }
0x63: {  	_ =	shalt  }
0x64: {  	_ =	shalt  }
0x65: {  	_ =	shalt  }
0x66: {  	_ =	shalt  }
0x67: {  	_ =	shalt  }
0x68: {  	_ =	shalt  }
0x69: {  	_ =	shalt  }
0x6a: {  	_ =	shalt  }
0x6b: {  	_ =	shalt  }
0x6c: {  	_ =	shalt  }
0x6d: {  	_ =	shalt  }
0x6e: {  	_ =	shalt  }
0x6f: {  	_ =	shalt  }
0x70: {  	_ =	shalt  }
0x71: {  	_ =	shalt  }
0x72: {  	_ =	shalt  }
0x73: {  	_ =	shalt  }
0x74: {  	_ =	shalt  }
0x75: {  	_ =	shalt  }
0x76: {  	_ =	shalt  }
0x77: {  	_ =	shalt  }
0x78: {  	_ =	shalt  }
0x79: {  	_ =	shalt  }
0x7a: {  	_ =	shalt  }
0x7b: {  	_ =	shalt  }
0x7c: {  	_ =	shalt  }
0x7d: {  	_ =	shalt  }
0x7e: {  	_ =	shalt  }
0x7f: {  	_ =	shalt  }
0x80: {  	_ =	shalt  }
0x81: {  	_ =	shalt  }
0x82: {  	_ =	shalt  }
0x83: {  	_ =	shalt  }
0x84: {  	_ =	shalt  }
0x85: {  	_ =	shalt  }
0x86: {  	_ =	shalt  }
0x87: {  	_ =	shalt  }
.Lfunc_end0:
.L_simem_size_0:
called_computation_lowered:
.L_overlay_start_0:
0x88: {  	s2 =	sld [smem:$0x3FD9]  }
0x89: {  	s3 =	sld [smem:$0x3FFE];
	_ =	sdelay $0x1  }
0x8a: {  	s1 =	srdreg.scid  }
0x8b: {  	s0 =	sand.u32 $0x1, s1  }
0x8c: {  	s17 =	sshll.u32 s0, $0xA;
	s2 =	sadd.s32 s3, s2  }
0x8d: {  	s2 =	sadd.s32 s2, s17  }
0x8e: {  	[smem:$0x3FA7] =	sst s2  }
0x8f: {  	_ = 	snop  }
0x90: {  	(tm) =	ssettm $0x1  }
0x91: {  	s18 =	sld [smem:$0x3FFB];
	_ =	sdelay $0x3  }
0x92: {  	_ =	strace s18  }
0x93: {  	s2 =	sld [smem:$0x3FFC];
	_ =	sdelay $0x3  }
0x94: {  	_ =	strace s2  }
0x95: {  	s2 =	sld [smem:$0x3FFD];
	_ =	sdelay $0x3  }
0x96: {  	_ =	strace s2  }
0x97: {  	_ =	strace $0x8FFFFFFF  }
0x98: {  	s19 =	sld [smem:$0x3FDB];
	_ =	sdelay $0x1  }
0x99: {  	s20 =	simm.s32 $_scs_section_size  }
0x9a: {  	s4 =	simm.s32 $_size__tile_overlayer_lowered;
	s5 =	simm.s32 $_tile_overlayer_lowered  }
0x9b: {  	s6 =	simm.s32 $0x1BFF;
	s21 =	sshll.u32 s5, $0x1;
	s3 =	sadd.s32 s20, s19  }
0x9c: {  	s22 =	simm.s32 $0x0;
	s4 =	sshll.u32 s4, $0x1;
	s5 =	sadd.s32 s21, s3  }
0x9d: {  	[timem:s22], [sflag:s6] =	dma.local [hbm:s5], s4  }
0x9e: {  	_ =	swait.ge [sflag:s6], s4  }
0x9f: {  	s4 =	ssub.s32 $0x0, s4;
	[sflag:s6] =	ssyncset.done $0x0  }
0xa0: {  	[sflag:s6] =	ssyncadd.s32 s4;
	_ =	sdelay $0x1  }
0xa1: {  	s23 =	simm.s32 $0x1B8B  }
0xa2: {  	_ =	swait.ge [sflag:s23], $0x1  }
0xa3: {  	[sflag:s23] =	ssyncset.done $0x0  }
0xa4: {  	[sflag:s23] =	ssyncadd.s32 $0xFFFFFFFF  }
0xa5: {  	s4 =	sld [smem:$0x0]  }
0xa6: {  	s5 =	sand.u32 $0xFFFFFFFE, s1  }
0xa7: {  	p0 =	sne.s32 s1, s5  }
0xa8: {  	s5 =	sshll.u32 @p0 s5, $0xE  }
0xa9: {  	s5 =	sadd.s32 @p0 $0x11B8D, s5;
	s6 =	sshll.u32 @p0 s4, $0x11  }
0xaa: {  	s5 =	sor.u32 @p0 s6, s5  }
0xab: {  	[sflag:s5] =	ssyncadd.remote.s32 @p0 $0x1;
	_ =	sdelay $0x1  }
0xac: {  	s5 =	simm.s32 @p0 $0x1B8D  }
0xad: {  	_ =	swait.eq @p0 [sflag:s5], $0x1  }
0xae: {  	[sflag:s5] =	ssyncadd.s32 @p0 $0xFFFFFFFF  }
0xaf: {  	s6 =	sshll.u32 @!p0 s1, $0xE  }
0xb0: {  	s6 =	sor.u32 @!p0 $0x4000, s6;
	s5 =	simm.s32 @!p0 $0x1B8D  }
0xb1: {  	s4 =	sshll.u32 @!p0 s4, $0x11;
	s6 =	sadd.s32 @!p0 $0x11B8D, s6;
	_ =	swait.eq @!p0 [sflag:s5], $0x1  }
0xb2: {  	s4 =	sor.u32 @!p0 s4, s6;
	[sflag:s5] =	ssyncadd.s32 @!p0 $0xFFFFFFFF  }
0xb3: {  	s25 =	simm.s32 $0x1B8E;
	s24 =	sld [smem:$0x3FFE];
	[sflag:s4] =	ssyncadd.remote.s32 @!p0 $0x1  }
0xb4: {  	s26 =	simm.s32 $execute0_lowered;
	[smem:$0x3FD2] =	sst s25  }
0xb5: {  	s5 =	sshll.u32 s26, $0x1;
	_ =	strace $0x80000049;
	[dreg:$0x1] =	wrdreg $0xFFFFFFFF  }
0xb6: {  	s28 =	simm.s32 $_size_execute0_lowered;
	s3 =	sadd.s32 s3, s5;
	[dreg:$0x0] =	wrdreg $0x0  }
0xb7: {  	s5 =	sshll.u32 s28, $0x1;
	[dreg:$0x2] =	wrdreg s3  }
0xb8: {  	[dreg:$0x3] =	wrdreg s5  }
0xb9: {  	[dreg:$0x4] =	wrdreg $0xC0  }
0xba: {  	_ =	task [dreg:s22], $0x5FFFF  }
0xbb: {  	[dreg:$0x1] =	wrdreg $0xFFFFFFFF  }
0xbc: {  	[dreg:$0x0] =	wrdreg $0x60  }
0xbd: {  	[dreg:$0x2] =	wrdreg s24  }
0xbe: {  	[dreg:$0x3] =	wrdreg $0x9  }
0xbf: {  	_ =	task.clear_ibuf [dreg:s22], $0x4FFFF;
	_ =	strace $0x90000049  }
0xc0: {  	s29 =	simm.s32 $0x9;
	_ =	strace $0x8000004B  }
0xc1: {  	_ =	swait.ge [sflag:s29], $0x1  }
0xc2: {  	[sflag:s29] =	ssyncadd.s32 $0xFFFFFFFF  }
0xc3: {  	_ =	strace $0x9000004B  }
0xc4: {  	_ =	sfence  }
0xc5: {  	s30 =	sld [smem:$0x0];
	_ =	sdelay $0x2  }
0xc6: {  	s31 =	sshll.u32 s1, $0xD;
	s1 =	sshrl.u32 s1, $0x2  }
0xc7: {  	s4 =	sand.u32 $0x4000, s31;
	s1 =	sadd.s32 s1, s30  }
0xc8: {  	s0 =	sor.u32 s4, s0;
	s1 =	sshll.u32 s1, $0x11  }
0xc9: {  	s0 =	sor.u32 s1, s0  }
0xca: {  	s0 =	sadd.s32 $0x8F2B, s0  }
0xcb: {  	[sflag:s0] =	ssyncadd.remote.s32 $0x1  }
0xcc: {  	_ =	sfence.sel $0xFFFF  }
0xcd: {  	[dreg:$0x0] =	wrdreg $0xFFFFFFFF;
	(pc) =	sbr.abs _section_cstart, $3  }
0xce: {  	[dreg:$0x1] =	wrdreg $0xFFFFFFFF  }
0xcf: {  	_ =	task.clear_ibuf [dreg:s22], $0x2FFFF;
	_ =	strace $0x9FFFFFFF  }
0xd0: {  	(tm) =	ssettm $0x7FFFFFFF  }
0xd1: {  	_ =	shalt  }
tec
execute0_lowered:
.L_overlay_start_1:
0x0: {  	(tag) =	ssettag $0x1  }
0x1: {  	s4 =	rddreg [dreg:$0x0]  }
0x2: {  	s0 =	rddreg [dreg:$0x1];
	s1 =	simm.s32 $0x0;
	s5 =	srdreg.scid  }
0x3: {  	s2 =	stileid.u32;
	[smem:$0x7FF] =	sst s1  }
0x4: {  	s3 =	sadd.s32 $0x5EE00, s4;
	s5 =	sand.u32 $0x1, s5;
	s6 =	sshll.u32 s2, $0x5  }
0x5: {  	s7 =	sshll.u32 s2, $0xC;
	_ =	strace $0x8000004A;
	s8 =	ssub.s32 $0x2, s5  }
0x6: {  	s6 =	sadd.s32 s6, s4;
	s7 =	sadd.s32 s7, s4;
	s9 =	sshll.u32 s5, $0xB  }
0x7: {  	s5 =	sshll.u32 s5, $0x4;
	s4 =	sshll.u32 s2, $0x1;
	s30 =	sshrl.u32 s8, $0x1  }
0x8: {  	s7 =	sadd.s32 s9, s7;
	s31 =	sadd.s32 s5, s6;
	s8 =	ssub.s32 s8, s30  }
0x9: {  	s6 =	sadd.s32 $0x2C5E00, s7;
	s7 =	sadd.s32 $0x59E00, s31;
	s5 =	smax.u32 s8, $0x1  }
.LBB2_1:
0xa: {  	s8 =	sadd.s32 $0x0, s4  }
0xb: {  	p0 =	sgt.u32 s8, $0x4E1  }
0xc: {  	s8 =	simm.s32 @!p0 $0x0;
	s9 =	simm.s32 @!p0 $0x3  }
0xd: {  	[tilespmem:s8], [sflag:$0x3] =	stream.linear.gather @!p0 [hbm4b:s7+s8], $0x80, $0x38;
	[tilespmem:$0x4080] =	vst v63  }
0xe: {  	_ =	swait.ge @!p0 [sflag:s9], $0x80  }
0xf: {  	[sflag:s9] =	ssyncset.done @!p0 $0x0;
	p0 =	por p0, p0  }
0x10: {  	[sflag:s9] =	ssyncadd.s32 @!p0 $0xFFFFFF80;
	s10 =	simm.s32 @!p0 $0x80;
	s11 =	simm.s32 @!p0 $0x1  }
0x11: {  	[tilespmem:s10], [sflag:$0x1] =	stream.indirect.gather @!p0 [hbm4b:s3+s10], $0x80, s8, s10, $0xb8;
	[tilespmem:$0x4080] =	vst v63  }
0x12: {  	_ =	swait.ge @!p0 [sflag:s11], $0x4000  }
0x13: {  	[sflag:s11] =	ssyncset.done @!p0 $0x0  }
0x14: {  	s31 =	sadd.s32 $0x20, s4;
	[sflag:s11] =	ssyncadd.s32 @!p0 $0xFFFFC000;
	s11 =	simm.s32 @!p0 $0x2  }
0x15: {  	[hbm4b:s6+s8] =	stream.linear.scatter @!p0 [tilespmem:s10], [sflag:$0x2], $0x4000, $0x38;
	[tilespmem:$0x4080] =	vst v63  }
0x16: {  	p1 =	sgt.u32 s31, $0x4E1;
	s9 =	simm.s32 $0x40;
	_ =	swait.ge @!p0 [sflag:s11], $0x4000  }
0x17: {  	s10 =	sadd.s32 $0x200, s7;
	s8 =	sadd.s32 $0x10000, s6;
	[sflag:s11] =	ssyncset.done @!p0 $0x0  }
.LBB2_2:
0x18: {  	s12 =	simm.s32 @!p1 $0x0;
	s13 =	simm.s32 @!p1 $0x3;
	[sflag:s11] =	ssyncadd.s32 @!p0 $0xFFFFC000  }
0x19: {  	[tilespmem:s12], [sflag:$0x3] =	stream.linear.gather @!p1 [hbm4b:s10+s12], $0x80, $0x38;
	[tilespmem:$0x4080] =	vst v63  }
0x1a: {  	s14 =	smov.u32 s9;
	s9 =	sadd.s32 $0x20, s9;
	_ =	swait.ge @!p1 [sflag:s13], $0x80  }
0x1b: {  	p0 =	por p1, p1;
	p2 =	sne.s32 s9, $0x500;
	[sflag:s13] =	ssyncset.done @!p1 $0x0  }
0x1c: {  	s11 =	simm.s32 @!p0 $0x1;
	[sflag:s13] =	ssyncadd.s32 @!p0 $0xFFFFFF80;
	s13 =	simm.s32 @!p0 $0x80  }
0x1d: {  	[tilespmem:s13], [sflag:$0x1] =	stream.indirect.gather @!p0 [hbm4b:s3+s13], $0x80, s12, s13, $0xb8;
	[tilespmem:$0x4080] =	vst v63  }
0x1e: {  	_ =	swait.ge @!p0 [sflag:s11], $0x4000  }
.Ltmp0:
0x1f: {  	[sflag:s11] =	ssyncset.done @!p0 $0x0;
	(pc) =	sbr.rel @p2 .LBB2_2-.Ltmp0, $4  }
0x20: {  	[sflag:s11] =	ssyncadd.s32 @!p0 $0xFFFFC000;
	s11 =	simm.s32 @!p0 $0x2  }
0x21: {  	[hbm4b:s8+s12] =	stream.linear.scatter @!p0 [tilespmem:s13], [sflag:$0x2], $0x4000, $0x38;
	[tilespmem:$0x4080] =	vst v63  }
0x22: {  	s10 =	sadd.s32 $0x200, s10;
	s12 =	sadd.s32 s14, s4;
	_ =	swait.ge @!p0 [sflag:s11], $0x4000  }
0x23: {  	s8 =	sadd.s32 $0x10000, s8;
	p1 =	sgt.u32 s12, $0x4E1;
	[sflag:s11] =	ssyncset.done @!p0 $0x0  }
0x24: {  	s9 =	simm.s32 @!p1 $0x0;
	s12 =	simm.s32 @!p1 $0x3;
	[sflag:s11] =	ssyncadd.s32 @!p0 $0xFFFFC000  }
0x25: {  	[tilespmem:s9], [sflag:$0x3] =	stream.linear.gather @!p1 [hbm4b:s10+s9], $0x80, $0x38;
	[tilespmem:$0x4080] =	vst v63  }
0x26: {  	_ =	swait.ge @!p1 [sflag:s12], $0x80  }
0x27: {  	p0 =	por p1, p1;
	[sflag:s12] =	ssyncset.done @!p1 $0x0  }
0x28: {  	s10 =	simm.s32 @!p0 $0x80;
	s11 =	simm.s32 @!p0 $0x1;
	[sflag:s12] =	ssyncadd.s32 @!p0 $0xFFFFFF80  }
0x29: {  	[tilespmem:s10], [sflag:$0x1] =	stream.indirect.gather @!p0 [hbm4b:s3+s10], $0x80, s9, s10, $0xb8;
	[tilespmem:$0x4080] =	vst v63  }
0x2a: {  	s1 =	sadd.s32 $0x1, s1;
	_ =	swait.ge @!p0 [sflag:s11], $0x4000  }
0x2b: {  	p1 =	sne.s32 s1, s5;
	[sflag:s11] =	ssyncset.done @!p0 $0x0  }
.Ltmp1:
0x2c: {  	[sflag:s11] =	ssyncadd.s32 @!p0 $0xFFFFC000;
	s11 =	simm.s32 @!p0 $0x2;
	(pc) =	sbr.rel @p1 .LBB2_1-.Ltmp1, $4  }
0x2d: {  	[hbm4b:s8+s9] =	stream.linear.scatter @!p0 [tilespmem:s10], [sflag:$0x2], $0x4000, $0x38;
	[tilespmem:$0x4080] =	vst v63  }
0x2e: {  	_ =	swait.ge @!p0 [sflag:s11], $0x4000  }
0x2f: {  	[sflag:s11] =	ssyncset.done @!p0 $0x0  }
0x30: {  	[sflag:s11] =	ssyncadd.s32 @!p0 $0xFFFFC000  }
0x31: {  	_ =	sfence.sel $0x180000  }
0x32: {  	[bflag:$0x0] =	sbarrier.arrive $0xFFFF  }
0x33: {  	p0 =	sne.s32 s2, $0x0;
	_ =	strace $0x9000004A  }
0x34: {  	s0 =	sadd.s32 @!p0 $0x100000, s0;
	[bflag:$0x2] =	sbarrier.arrive $0xFFFF  }
0x35: {  	[sflag:s0] =	ssyncadd.tile.s32 @!p0 $0x1;
	_ =	shalt  }
.Lfunc_end2:
_tile_overlayer_lowered:
.L_overlay_start_2:
0x36: {  	(tag) =	ssettag $0x2  }
0x37: {  	s0 =	rddreg [dreg:$0x0];
	s2 =	stileid.u32  }
0x38: {  	s1 =	rddreg [dreg:$0x1];
	p0 =	sne.s32 s2, $0x0  }
0x39: {  	s3 =	rddreg [dreg:$0x2];
	[bflag:$0x3] =	sbarrier.arrive $0xFFFF;
	s2 =	simm.s32 @!p0 $0x1C02  }
0x3a: {  	[timem:s3], [sflag:s2] =	dma.local @!p0 [hbm:s0], s1  }
0x3b: {  	s0 =	simm.s32 @!p0 $0x2  }
0x3c: {  	_ =	swait.ge @!p0 [sflag:s0], s1  }
0x3d: {  	s1 =	ssub.s32 @!p0 $0x0, s1;
	[sflag:s0] =	ssyncset.done @!p0 $0x0  }
0x3e: {  	[sflag:s0] =	ssyncadd.s32 @!p0 s1  }
0x3f: {  	[bflag:$0x3] =	sbarrier.arrive $0xFFFF  }
0x40: {  	_ =	shalt  }

// kernel: kernel.16.cloned.1.call-start
scs
__scs_entry_jumppad:
0x0: {  	(pc) =	sbr.rel $0x88, $3  }
0x1: {  	(tag) =	ssettag $0x0;
	lr =	simm.s32 $0x1  }
0x2: {  	[smem:$0x3F80] =	sst lr;
	_ =	strace $0xD0000000  }
0x3: {  	_ = 	snop  }
0x4: {  	_ = 	snop  }
0x5: {  	_ = 	snop  }
0x6: {  	_ = 	snop  }
0x7: {  	_ = 	snop  }
__scs_overlays_trampoline_lowered:
0x8: {  	[smem:$0x3F8F] =	sst s0  }
0x9: {  	[smem:$0x3F90] =	sst s1  }
0xa: {  	[smem:$0x3F91] =	sst s2  }
0xb: {  	[smem:$0x3F92] =	sst s3  }
0xc: {  	[smem:$0x3F93] =	sst s4  }
0xd: {  	[smem:$0x3F94] =	sst s5  }
0xe: {  	[smem:$0x3F95] =	sst s6  }
0xf: {  	[smem:$0x3F96] =	sst s7  }
0x10: {  	[smem:$0x3F97] =	sst s8  }
0x11: {  	[smem:$0x3F98] =	sst s9;
	s0 =	simm.s32 @!p0 $0x0  }
0x12: {  	s1 =	sld [smem:$0x3F7E];
	s0 =	simm.s32 @p0 $0x1  }
0x13: {  	[smem:$0x3F99] =	sst s0;
	s0 =	simm.s32 @!p1 $0x0  }
0x14: {  	s2 =	sld [smem:$0x3F7D];
	s0 =	simm.s32 @p1 $0x1  }
0x15: {  	[smem:$0x3F9A] =	sst s0;
	s0 =	simm.s32 @!p2 $0x0  }
0x16: {  	s3 =	sld [smem:$0x3FDB];
	s0 =	simm.s32 @p2 $0x1  }
0x17: {  	s4 =	simm.s32 $0x1BF5;
	[smem:$0x3F9C] =	sst s0  }
0x18: {  	s0 =	sld [smem:$0x3F7F];
	_ =	swait.ge [sflag:s4], $0x0  }
0x19: {  	s7 =	sld [smem:$0x3F80]  }
0x1a: {  	s8 =	sadd.s32 $0xFFFFE003, lr  }
0x1b: {  	s9 =	sadd.s32 $0xFFFFFEF7, lr;
	s5 =	simm.s32 $0xFFFFFFFF;
	p2 =	slt.u32 s8, $0xFFFFF086  }
0x1c: {  	p1 =	slt.u32 s9, $0xF7A;
	s5 =	simm.s32 @!p2 $0x0  }
0x1d: {  	s5 =	simm.s32 @p1 $0x1;
	p0 =	seq.s32 s7, s2  }
0x1e: {  	s7 =	smul.u32 @!p0 $0xF7A, s2;
	p2 =	seq.s32 @!p0 s5, $0x0  }
0x1f: {  	s9 =	smul.u32 $0xF7A, s1;
	s8 =	simm.s32 @!p0 $0x1BF5;
	p2 =	por !p2, p0  }
0x20: {  	[sflag:s8] =	ssyncset.s32 @!p0 $0xFFFFF086;
	s6 =	sadd.s32 @!p0 s3, s7;
	s7 =	simm.s32 @!p0 $0x108  }
0x21: {  	s3 =	sadd.s32 s3, s9;
	s6 =	sadd.s32 @!p0 $0x88, s6;
	s7 =	simm.s32 @p2 $0x1082  }
0x22: {  	[simem:s7], [sflag:s8] =	dma.local @!p0 [hbm:s6], $0xF7A  }
0x23: {  	s9 =	sor.u32 $0xD0000000, s2;
	s6 =	simm.s32 $0x108;
	_ =	swait.ge @!p0 [sflag:s8], $0x0  }
0x24: {  	s3 =	sadd.s32 $0x88, s3;
	s6 =	simm.s32 @!p1 $0x1082;
	[sflag:s4] =	ssyncset.s32 $0xFFFFF086  }
0x25: {  	[simem:s6], [sflag:s4] =	dma.local [hbm:s3], $0xF7A  }
0x26: {  	[smem:$0x3F80] =	sst s1;
	(tag) =	ssettag s2;
	_ =	strace s9  }
0x27: {  	s1 =	sld [smem:$0x3F90]  }
0x28: {  	s2 =	sld [smem:$0x3F91]  }
0x29: {  	s4 =	sld [smem:$0x3F93]  }
0x2a: {  	p0 =	seq.s32 s5, $0x0;
	s5 =	sld [smem:$0x3F94]  }
0x2b: {  	s6 =	sld [smem:$0x3F95]  }
0x2c: {  	s7 =	sld [smem:$0x3F96]  }
0x2d: {  	s3 =	simm.s32 $0x108;
	s8 =	sld [smem:$0x3F97]  }
0x2e: {  	s3 =	simm.s32 @!p0 $0x1082;
	s9 =	sld [smem:$0x3F98]  }
0x2f: {  	lr =	sadd.s32 s0, s3;
	s0 =	sld [smem:$0x3F8F]  }
0x30: {  	s3 =	sld [smem:$0x3F92]  }
0x31: {  	[smem:$0x3F9B] =	sst s10  }
0x32: {  	s10 =	sld [smem:$0x3F99];
	_ =	sdelay $0x3  }
0x33: {  	p0 =	seq.s32 s10, $0x1;
	s10 =	sld [smem:$0x3F9B];
	_ =	sdelay $0x3  }
0x34: {  	[smem:$0x3F9B] =	sst s10  }
0x35: {  	s10 =	sld [smem:$0x3F9A];
	_ =	sdelay $0x3  }
0x36: {  	p1 =	seq.s32 s10, $0x1;
	s10 =	sld [smem:$0x3F9B];
	_ =	sdelay $0x3  }
0x37: {  	[smem:$0x3F9B] =	sst s10  }
0x38: {  	s10 =	sld [smem:$0x3F9C]  }
0x39: {  	_ = 	snop;
	(pc) =	sbr.ind lr, $3  }
0x3a: {  	_ = 	snop  }
0x3b: {  	_ = 	snop  }
0x3c: {  	p2 =	seq.s32 s10, $0x1;
	s10 =	sld [smem:$0x3F9B]  }
0x3d: {  	_ =	shalt  }
0x3e: {  	_ =	shalt  }
0x3f: {  	_ =	shalt  }
0x40: {  	_ =	shalt  }
0x41: {  	_ =	shalt  }
0x42: {  	_ =	shalt  }
0x43: {  	_ =	shalt  }
0x44: {  	_ =	shalt  }
0x45: {  	_ =	shalt  }
0x46: {  	_ =	shalt  }
0x47: {  	_ =	shalt  }
0x48: {  	_ =	shalt  }
0x49: {  	_ =	shalt  }
0x4a: {  	_ =	shalt  }
0x4b: {  	_ =	shalt  }
0x4c: {  	_ =	shalt  }
0x4d: {  	_ =	shalt  }
0x4e: {  	_ =	shalt  }
0x4f: {  	_ =	shalt  }
0x50: {  	_ =	shalt  }
0x51: {  	_ =	shalt  }
0x52: {  	_ =	shalt  }
0x53: {  	_ =	shalt  }
0x54: {  	_ =	shalt  }
0x55: {  	_ =	shalt  }
0x56: {  	_ =	shalt  }
0x57: {  	_ =	shalt  }
0x58: {  	_ =	shalt  }
0x59: {  	_ =	shalt  }
0x5a: {  	_ =	shalt  }
0x5b: {  	_ =	shalt  }
0x5c: {  	_ =	shalt  }
0x5d: {  	_ =	shalt  }
0x5e: {  	_ =	shalt  }
0x5f: {  	_ =	shalt  }
0x60: {  	_ =	shalt  }
0x61: {  	_ =	shalt  }
0x62: {  	_ =	shalt  }
0x63: {  	_ =	shalt  }
0x64: {  	_ =	shalt  }
0x65: {  	_ =	shalt  }
0x66: {  	_ =	shalt  }
0x67: {  	_ =	shalt  }
0x68: {  	_ =	shalt  }
0x69: {  	_ =	shalt  }
0x6a: {  	_ =	shalt  }
0x6b: {  	_ =	shalt  }
0x6c: {  	_ =	shalt  }
0x6d: {  	_ =	shalt  }
0x6e: {  	_ =	shalt  }
0x6f: {  	_ =	shalt  }
0x70: {  	_ =	shalt  }
0x71: {  	_ =	shalt  }
0x72: {  	_ =	shalt  }
0x73: {  	_ =	shalt  }
0x74: {  	_ =	shalt  }
0x75: {  	_ =	shalt  }
0x76: {  	_ =	shalt  }
0x77: {  	_ =	shalt  }
0x78: {  	_ =	shalt  }
0x79: {  	_ =	shalt  }
0x7a: {  	_ =	shalt  }
0x7b: {  	_ =	shalt  }
0x7c: {  	_ =	shalt  }
0x7d: {  	_ =	shalt  }
0x7e: {  	_ =	shalt  }
0x7f: {  	_ =	shalt  }
0x80: {  	_ =	shalt  }
0x81: {  	_ =	shalt  }
0x82: {  	_ =	shalt  }
0x83: {  	_ =	shalt  }
0x84: {  	_ =	shalt  }
0x85: {  	_ =	shalt  }
0x86: {  	_ =	shalt  }
0x87: {  	_ =	shalt  }
.Lfunc_end0:
.L_simem_size_0:
called_computation.1_lowered:
.L_overlay_start_0:
0x88: {  	s2 =	sld [smem:$0x3FD9]  }
0x89: {  	s3 =	sld [smem:$0x3FFE];
	_ =	sdelay $0x1  }
0x8a: {  	s1 =	srdreg.scid  }
0x8b: {  	s0 =	sand.u32 $0x1, s1  }
0x8c: {  	s16 =	sshll.u32 s0, $0xA;
	s2 =	sadd.s32 s3, s2  }
0x8d: {  	s2 =	sadd.s32 s2, s16  }
0x8e: {  	[smem:$0x3FA7] =	sst s2  }
0x8f: {  	_ = 	snop  }
0x90: {  	(tm) =	ssettm $0x1  }
0x91: {  	s17 =	sld [smem:$0x3FFB];
	_ =	sdelay $0x3  }
0x92: {  	_ =	strace s17  }
0x93: {  	s2 =	sld [smem:$0x3FFC];
	_ =	sdelay $0x3  }
0x94: {  	_ =	strace s2  }
0x95: {  	s2 =	sld [smem:$0x3FFD];
	_ =	sdelay $0x3  }
0x96: {  	_ =	strace s2  }
0x97: {  	_ =	strace $0x8FFFFFFF  }
0x98: {  	s18 =	sld [smem:$0x3FDB];
	_ =	sdelay $0x1  }
0x99: {  	s19 =	simm.s32 $_scs_section_size  }
0x9a: {  	s4 =	simm.s32 $_size__tile_overlayer_lowered;
	s5 =	simm.s32 $_tile_overlayer_lowered  }
0x9b: {  	s22 =	simm.s32 $0x1BFF;
	s21 =	sshll.u32 s5, $0x1;
	s2 =	sadd.s32 s19, s18  }
0x9c: {  	s6 =	simm.s32 $0x0;
	s20 =	sshll.u32 s4, $0x1;
	s4 =	sadd.s32 s21, s2  }
0x9d: {  	[timem:s6], [sflag:s22] =	dma.local [hbm:s4], s20  }
0x9e: {  	_ =	swait.ge [sflag:s22], s20  }
0x9f: {  	s3 =	ssub.s32 $0x0, s20;
	[sflag:s22] =	ssyncset.done $0x0  }
0xa0: {  	[sflag:s22] =	ssyncadd.s32 s3;
	_ =	sdelay $0x1  }
0xa1: {  	s23 =	simm.s32 $0x1B8B  }
0xa2: {  	_ =	swait.ge [sflag:s23], $0x1  }
0xa3: {  	[sflag:s23] =	ssyncset.done $0x0  }
0xa4: {  	s25 =	simm.s32 $0x1B8E;
	s24 =	sld [smem:$0x3FFE];
	[sflag:s23] =	ssyncadd.s32 $0xFFFFFFFF  }
0xa5: {  	s26 =	simm.s32 $execute0_lowered;
	[smem:$0x3FD2] =	sst s25  }
0xa6: {  	s4 =	sshll.u32 s26, $0x1;
	_ =	strace $0x80000046;
	[dreg:$0x1] =	wrdreg $0xFFFFFFFF  }
0xa7: {  	s28 =	simm.s32 $_size_execute0_lowered;
	s2 =	sadd.s32 s2, s4;
	[dreg:$0x0] =	wrdreg $0x0  }
0xa8: {  	s4 =	sshll.u32 s28, $0x1;
	[dreg:$0x2] =	wrdreg s2  }
0xa9: {  	[dreg:$0x3] =	wrdreg s4  }
0xaa: {  	[dreg:$0x4] =	wrdreg $0xC0  }
0xab: {  	_ =	task [dreg:s6], $0x5FFFF  }
0xac: {  	[dreg:$0x1] =	wrdreg $0xFFFFFFFF  }
0xad: {  	[dreg:$0x0] =	wrdreg $0x60  }
0xae: {  	[dreg:$0x2] =	wrdreg s24  }
0xaf: {  	[dreg:$0x3] =	wrdreg $0xA  }
0xb0: {  	_ =	task.clear_ibuf [dreg:s6], $0x4FFFF;
	_ =	strace $0x90000046  }
0xb1: {  	s29 =	simm.s32 $0xA;
	_ =	strace $0x80000048  }
0xb2: {  	_ =	swait.ge [sflag:s29], $0x1  }
0xb3: {  	[sflag:s29] =	ssyncadd.s32 $0xFFFFFFFF  }
0xb4: {  	_ =	strace $0x90000048  }
0xb5: {  	_ =	sfence  }
0xb6: {  	s30 =	sld [smem:$0x0];
	_ =	sdelay $0x2  }
0xb7: {  	s31 =	sshll.u32 s1, $0xD;
	s1 =	sshrl.u32 s1, $0x2  }
0xb8: {  	s3 =	sand.u32 $0x4000, s31;
	s1 =	sadd.s32 s1, s30  }
0xb9: {  	s0 =	sor.u32 s3, s0;
	s1 =	sshll.u32 s1, $0x11  }
0xba: {  	s0 =	sor.u32 s1, s0  }
0xbb: {  	s0 =	sadd.s32 $0x8F2B, s0  }
0xbc: {  	[sflag:s0] =	ssyncadd.remote.s32 $0x1  }
0xbd: {  	_ =	sfence.sel $0xFFFF  }
0xbe: {  	[dreg:$0x0] =	wrdreg $0xFFFFFFFF;
	(pc) =	sbr.abs _section_cstart, $3  }
0xbf: {  	[dreg:$0x1] =	wrdreg $0xFFFFFFFF  }
0xc0: {  	_ =	task.clear_ibuf [dreg:s6], $0x2FFFF;
	_ =	strace $0x9FFFFFFF  }
0xc1: {  	(tm) =	ssettm $0x7FFFFFFF  }
tec
execute0_lowered:
.L_overlay_start_1:
0x0: {  	(tag) =	ssettag $0x1  }
0x1: {  	s4 =	rddreg [dreg:$0x0]  }
0x2: {  	s0 =	rddreg [dreg:$0x1];
	s1 =	simm.s32 $0x0;
	s5 =	srdreg.scid  }
0x3: {  	s2 =	stileid.u32;
	[smem:$0x7FF] =	sst s1  }
0x4: {  	s3 =	sadd.s32 $0x277C00, s4;
	s5 =	sand.u32 $0x1, s5;
	s6 =	sshll.u32 s2, $0x5  }
0x5: {  	s7 =	sshll.u32 s2, $0x9;
	_ =	strace $0x80000047;
	s8 =	ssub.s32 $0x2, s5  }
0x6: {  	s6 =	sadd.s32 s6, s4;
	s7 =	sadd.s32 s7, s4;
	s9 =	sshll.u32 s5, $0x8  }
0x7: {  	s5 =	sshll.u32 s5, $0x4;
	s4 =	sshll.u32 s2, $0x1;
	s30 =	sshrl.u32 s8, $0x1  }
0x8: {  	s7 =	sadd.s32 s9, s7;
	s31 =	sadd.s32 s5, s6;
	s8 =	ssub.s32 s8, s30  }
0x9: {  	s6 =	sadd.s32 $0xBC00, s7;
	s7 =	sadd.s32 $0x6C00, s31;
	s5 =	smax.u32 s8, $0x1  }
.LBB2_1:
0xa: {  	s8 =	sadd.s32 $0x0, s4  }
0xb: {  	p0 =	sgt.u32 s8, $0x4E1  }
0xc: {  	s8 =	simm.s32 @!p0 $0x0;
	s9 =	simm.s32 @!p0 $0x3  }
0xd: {  	[tilespmem:s8], [sflag:$0x3] =	stream.linear.gather @!p0 [hbm4b:s7+s8], $0x80, $0x38;
	[tilespmem:$0x880] =	vst v63  }
0xe: {  	_ =	swait.ge @!p0 [sflag:s9], $0x80  }
0xf: {  	[sflag:s9] =	ssyncset.done @!p0 $0x0;
	p0 =	por p0, p0  }
0x10: {  	[sflag:s9] =	ssyncadd.s32 @!p0 $0xFFFFFF80;
	s10 =	simm.s32 @!p0 $0x80;
	s11 =	simm.s32 @!p0 $0x1  }
0x11: {  	[tilespmem:s10], [sflag:$0x1] =	stream.indirect.gather @!p0 [hbm4b:s3+s10], $0x10, s8, s10, $0xb8;
	[tilespmem:$0x880] =	vst v63  }
0x12: {  	_ =	swait.ge @!p0 [sflag:s11], $0x800  }
0x13: {  	[sflag:s11] =	ssyncset.done @!p0 $0x0  }
0x14: {  	s31 =	sadd.s32 $0x20, s4;
	[sflag:s11] =	ssyncadd.s32 @!p0 $0xFFFFF800;
	s11 =	simm.s32 @!p0 $0x2  }
0x15: {  	[hbm4b:s6+s8] =	stream.linear.scatter @!p0 [tilespmem:s10], [sflag:$0x2], $0x800, $0x38;
	[tilespmem:$0x880] =	vst v63  }
0x16: {  	p1 =	sgt.u32 s31, $0x4E1;
	s9 =	simm.s32 $0x40;
	_ =	swait.ge @!p0 [sflag:s11], $0x800  }
0x17: {  	s10 =	sadd.s32 $0x200, s7;
	s8 =	sadd.s32 $0x2000, s6;
	[sflag:s11] =	ssyncset.done @!p0 $0x0  }
.LBB2_2:
0x18: {  	s12 =	simm.s32 @!p1 $0x0;
	s13 =	simm.s32 @!p1 $0x3;
	[sflag:s11] =	ssyncadd.s32 @!p0 $0xFFFFF800  }
0x19: {  	[tilespmem:s12], [sflag:$0x3] =	stream.linear.gather @!p1 [hbm4b:s10+s12], $0x80, $0x38;
	[tilespmem:$0x880] =	vst v63  }
0x1a: {  	s14 =	smov.u32 s9;
	s9 =	sadd.s32 $0x20, s9;
	_ =	swait.ge @!p1 [sflag:s13], $0x80  }
0x1b: {  	p0 =	por p1, p1;
	p2 =	sne.s32 s9, $0x500;
	[sflag:s13] =	ssyncset.done @!p1 $0x0  }
0x1c: {  	s11 =	simm.s32 @!p0 $0x1;
	[sflag:s13] =	ssyncadd.s32 @!p0 $0xFFFFFF80;
	s13 =	simm.s32 @!p0 $0x80  }
0x1d: {  	[tilespmem:s13], [sflag:$0x1] =	stream.indirect.gather @!p0 [hbm4b:s3+s13], $0x10, s12, s13, $0xb8;
	[tilespmem:$0x880] =	vst v63  }
0x1e: {  	_ =	swait.ge @!p0 [sflag:s11], $0x800  }
.Ltmp0:
0x1f: {  	[sflag:s11] =	ssyncset.done @!p0 $0x0;
	(pc) =	sbr.rel @p2 .LBB2_2-.Ltmp0, $4  }
0x20: {  	[sflag:s11] =	ssyncadd.s32 @!p0 $0xFFFFF800;
	s11 =	simm.s32 @!p0 $0x2  }
0x21: {  	[hbm4b:s8+s12] =	stream.linear.scatter @!p0 [tilespmem:s13], [sflag:$0x2], $0x800, $0x38;
	[tilespmem:$0x880] =	vst v63  }
0x22: {  	s10 =	sadd.s32 $0x200, s10;
	s12 =	sadd.s32 s14, s4;
	_ =	swait.ge @!p0 [sflag:s11], $0x800  }
0x23: {  	s8 =	sadd.s32 $0x2000, s8;
	p1 =	sgt.u32 s12, $0x4E1;
	[sflag:s11] =	ssyncset.done @!p0 $0x0  }
0x24: {  	s9 =	simm.s32 @!p1 $0x0;
	s12 =	simm.s32 @!p1 $0x3;
	[sflag:s11] =	ssyncadd.s32 @!p0 $0xFFFFF800  }
0x25: {  	[tilespmem:s9], [sflag:$0x3] =	stream.linear.gather @!p1 [hbm4b:s10+s9], $0x80, $0x38;
	[tilespmem:$0x880] =	vst v63  }
0x26: {  	_ =	swait.ge @!p1 [sflag:s12], $0x80  }
0x27: {  	p0 =	por p1, p1;
	[sflag:s12] =	ssyncset.done @!p1 $0x0  }
0x28: {  	s10 =	simm.s32 @!p0 $0x80;
	s11 =	simm.s32 @!p0 $0x1;
	[sflag:s12] =	ssyncadd.s32 @!p0 $0xFFFFFF80  }
0x29: {  	[tilespmem:s10], [sflag:$0x1] =	stream.indirect.gather @!p0 [hbm4b:s3+s10], $0x10, s9, s10, $0xb8;
	[tilespmem:$0x880] =	vst v63  }
0x2a: {  	s1 =	sadd.s32 $0x1, s1;
	_ =	swait.ge @!p0 [sflag:s11], $0x800  }
0x2b: {  	p1 =	sne.s32 s1, s5;
	[sflag:s11] =	ssyncset.done @!p0 $0x0  }
.Ltmp1:
0x2c: {  	[sflag:s11] =	ssyncadd.s32 @!p0 $0xFFFFF800;
	s11 =	simm.s32 @!p0 $0x2;
	(pc) =	sbr.rel @p1 .LBB2_1-.Ltmp1, $4  }
0x2d: {  	[hbm4b:s8+s9] =	stream.linear.scatter @!p0 [tilespmem:s10], [sflag:$0x2], $0x800, $0x38;
	[tilespmem:$0x880] =	vst v63  }
0x2e: {  	_ =	swait.ge @!p0 [sflag:s11], $0x800  }
0x2f: {  	[sflag:s11] =	ssyncset.done @!p0 $0x0  }
0x30: {  	[sflag:s11] =	ssyncadd.s32 @!p0 $0xFFFFF800  }
0x31: {  	_ =	sfence.sel $0x180000  }
0x32: {  	[bflag:$0x0] =	sbarrier.arrive $0xFFFF  }
0x33: {  	p0 =	sne.s32 s2, $0x0;
	_ =	strace $0x90000047  }
0x34: {  	s0 =	sadd.s32 @!p0 $0x100000, s0;
	[bflag:$0x2] =	sbarrier.arrive $0xFFFF  }
0x35: {  	[sflag:s0] =	ssyncadd.tile.s32 @!p0 $0x1;
	_ =	shalt  }
.Lfunc_end2:
_tile_overlayer_lowered:
.L_overlay_start_2:
0x36: {  	(tag) =	ssettag $0x2  }
0x37: {  	s0 =	rddreg [dreg:$0x0];
	s2 =	stileid.u32  }
0x38: {  	s1 =	rddreg [dreg:$0x1];
	p0 =	sne.s32 s2, $0x0  }
0x39: {  	s3 =	rddreg [dreg:$0x2];
	[bflag:$0x3] =	sbarrier.arrive $0xFFFF;
	s2 =	simm.s32 @!p0 $0x1C02  }
0x3a: {  	[timem:s3], [sflag:s2] =	dma.local @!p0 [hbm:s0], s1  }
0x3b: {  	s0 =	simm.s32 @!p0 $0x2  }
0x3c: {  	_ =	swait.ge @!p0 [sflag:s0], s1  }
0x3d: {  	s1 =	ssub.s32 @!p0 $0x0, s1;
	[sflag:s0] =	ssyncset.done @!p0 $0x0  }
0x3e: {  	[sflag:s0] =	ssyncadd.s32 @!p0 s1  }
0x3f: {  	[bflag:$0x3] =	sbarrier.arrive $0xFFFF  }
0x40: {  	_ =	shalt  }

// kernel: kernel.19.cloned.1.call-start
scs
__scs_entry_jumppad:
0x0: {  	(pc) =	sbr.rel $0x88, $3  }
0x1: {  	(tag) =	ssettag $0x0;
	lr =	simm.s32 $0x1  }
0x2: {  	[smem:$0x3F80] =	sst lr;
	_ =	strace $0xD0000000  }
0x3: {  	_ = 	snop  }
0x4: {  	_ = 	snop  }
0x5: {  	_ = 	snop  }
0x6: {  	_ = 	snop  }
0x7: {  	_ = 	snop  }
__scs_overlays_trampoline_lowered:
0x8: {  	[smem:$0x3F8F] =	sst s0  }
0x9: {  	[smem:$0x3F90] =	sst s1  }
0xa: {  	[smem:$0x3F91] =	sst s2  }
0xb: {  	[smem:$0x3F92] =	sst s3  }
0xc: {  	[smem:$0x3F93] =	sst s4  }
0xd: {  	[smem:$0x3F94] =	sst s5  }
0xe: {  	[smem:$0x3F95] =	sst s6  }
0xf: {  	[smem:$0x3F96] =	sst s7  }
0x10: {  	[smem:$0x3F97] =	sst s8  }
0x11: {  	[smem:$0x3F98] =	sst s9;
	s0 =	simm.s32 @!p0 $0x0  }
0x12: {  	s1 =	sld [smem:$0x3F7E];
	s0 =	simm.s32 @p0 $0x1  }
0x13: {  	[smem:$0x3F99] =	sst s0;
	s0 =	simm.s32 @!p1 $0x0  }
0x14: {  	s2 =	sld [smem:$0x3F7D];
	s0 =	simm.s32 @p1 $0x1  }
0x15: {  	[smem:$0x3F9A] =	sst s0;
	s0 =	simm.s32 @!p2 $0x0  }
0x16: {  	s3 =	sld [smem:$0x3FDB];
	s0 =	simm.s32 @p2 $0x1  }
0x17: {  	s4 =	simm.s32 $0x1BF5;
	[smem:$0x3F9C] =	sst s0  }
0x18: {  	s0 =	sld [smem:$0x3F7F];
	_ =	swait.ge [sflag:s4], $0x0  }
0x19: {  	s7 =	sld [smem:$0x3F80]  }
0x1a: {  	s8 =	sadd.s32 $0xFFFFE003, lr  }
0x1b: {  	s9 =	sadd.s32 $0xFFFFFEF7, lr;
	s5 =	simm.s32 $0xFFFFFFFF;
	p2 =	slt.u32 s8, $0xFFFFF086  }
0x1c: {  	p1 =	slt.u32 s9, $0xF7A;
	s5 =	simm.s32 @!p2 $0x0  }
0x1d: {  	s5 =	simm.s32 @p1 $0x1;
	p0 =	seq.s32 s7, s2  }
0x1e: {  	s7 =	smul.u32 @!p0 $0xF7A, s2;
	p2 =	seq.s32 @!p0 s5, $0x0  }
0x1f: {  	s9 =	smul.u32 $0xF7A, s1;
	s8 =	simm.s32 @!p0 $0x1BF5;
	p2 =	por !p2, p0  }
0x20: {  	[sflag:s8] =	ssyncset.s32 @!p0 $0xFFFFF086;
	s6 =	sadd.s32 @!p0 s3, s7;
	s7 =	simm.s32 @!p0 $0x108  }
0x21: {  	s3 =	sadd.s32 s3, s9;
	s6 =	sadd.s32 @!p0 $0x88, s6;
	s7 =	simm.s32 @p2 $0x1082  }
0x22: {  	[simem:s7], [sflag:s8] =	dma.local @!p0 [hbm:s6], $0xF7A  }
0x23: {  	s9 =	sor.u32 $0xD0000000, s2;
	s6 =	simm.s32 $0x108;
	_ =	swait.ge @!p0 [sflag:s8], $0x0  }
0x24: {  	s3 =	sadd.s32 $0x88, s3;
	s6 =	simm.s32 @!p1 $0x1082;
	[sflag:s4] =	ssyncset.s32 $0xFFFFF086  }
0x25: {  	[simem:s6], [sflag:s4] =	dma.local [hbm:s3], $0xF7A  }
0x26: {  	[smem:$0x3F80] =	sst s1;
	(tag) =	ssettag s2;
	_ =	strace s9  }
0x27: {  	s1 =	sld [smem:$0x3F90]  }
0x28: {  	s2 =	sld [smem:$0x3F91]  }
0x29: {  	s4 =	sld [smem:$0x3F93]  }
0x2a: {  	p0 =	seq.s32 s5, $0x0;
	s5 =	sld [smem:$0x3F94]  }
0x2b: {  	s6 =	sld [smem:$0x3F95]  }
0x2c: {  	s7 =	sld [smem:$0x3F96]  }
0x2d: {  	s3 =	simm.s32 $0x108;
	s8 =	sld [smem:$0x3F97]  }
0x2e: {  	s3 =	simm.s32 @!p0 $0x1082;
	s9 =	sld [smem:$0x3F98]  }
0x2f: {  	lr =	sadd.s32 s0, s3;
	s0 =	sld [smem:$0x3F8F]  }
0x30: {  	s3 =	sld [smem:$0x3F92]  }
0x31: {  	[smem:$0x3F9B] =	sst s10  }
0x32: {  	s10 =	sld [smem:$0x3F99];
	_ =	sdelay $0x3  }
0x33: {  	p0 =	seq.s32 s10, $0x1;
	s10 =	sld [smem:$0x3F9B];
	_ =	sdelay $0x3  }
0x34: {  	[smem:$0x3F9B] =	sst s10  }
0x35: {  	s10 =	sld [smem:$0x3F9A];
	_ =	sdelay $0x3  }
0x36: {  	p1 =	seq.s32 s10, $0x1;
	s10 =	sld [smem:$0x3F9B];
	_ =	sdelay $0x3  }
0x37: {  	[smem:$0x3F9B] =	sst s10  }
0x38: {  	s10 =	sld [smem:$0x3F9C]  }
0x39: {  	_ = 	snop;
	(pc) =	sbr.ind lr, $3  }
0x3a: {  	_ = 	snop  }
0x3b: {  	_ = 	snop  }
0x3c: {  	p2 =	seq.s32 s10, $0x1;
	s10 =	sld [smem:$0x3F9B]  }
0x3d: {  	_ =	shalt  }
0x3e: {  	_ =	shalt  }
0x3f: {  	_ =	shalt  }
0x40: {  	_ =	shalt  }
0x41: {  	_ =	shalt  }
0x42: {  	_ =	shalt  }
0x43: {  	_ =	shalt  }
0x44: {  	_ =	shalt  }
0x45: {  	_ =	shalt  }
0x46: {  	_ =	shalt  }
0x47: {  	_ =	shalt  }
0x48: {  	_ =	shalt  }
0x49: {  	_ =	shalt  }
0x4a: {  	_ =	shalt  }
0x4b: {  	_ =	shalt  }
0x4c: {  	_ =	shalt  }
0x4d: {  	_ =	shalt  }
0x4e: {  	_ =	shalt  }
0x4f: {  	_ =	shalt  }
0x50: {  	_ =	shalt  }
0x51: {  	_ =	shalt  }
0x52: {  	_ =	shalt  }
0x53: {  	_ =	shalt  }
0x54: {  	_ =	shalt  }
0x55: {  	_ =	shalt  }
0x56: {  	_ =	shalt  }
0x57: {  	_ =	shalt  }
0x58: {  	_ =	shalt  }
0x59: {  	_ =	shalt  }
0x5a: {  	_ =	shalt  }
0x5b: {  	_ =	shalt  }
0x5c: {  	_ =	shalt  }
0x5d: {  	_ =	shalt  }
0x5e: {  	_ =	shalt  }
0x5f: {  	_ =	shalt  }
0x60: {  	_ =	shalt  }
0x61: {  	_ =	shalt  }
0x62: {  	_ =	shalt  }
0x63: {  	_ =	shalt  }
0x64: {  	_ =	shalt  }
0x65: {  	_ =	shalt  }
0x66: {  	_ =	shalt  }
0x67: {  	_ =	shalt  }
0x68: {  	_ =	shalt  }
0x69: {  	_ =	shalt  }
0x6a: {  	_ =	shalt  }
0x6b: {  	_ =	shalt  }
0x6c: {  	_ =	shalt  }
0x6d: {  	_ =	shalt  }
0x6e: {  	_ =	shalt  }
0x6f: {  	_ =	shalt  }
0x70: {  	_ =	shalt  }
0x71: {  	_ =	shalt  }
0x72: {  	_ =	shalt  }
0x73: {  	_ =	shalt  }
0x74: {  	_ =	shalt  }
0x75: {  	_ =	shalt  }
0x76: {  	_ =	shalt  }
0x77: {  	_ =	shalt  }
0x78: {  	_ =	shalt  }
0x79: {  	_ =	shalt  }
0x7a: {  	_ =	shalt  }
0x7b: {  	_ =	shalt  }
0x7c: {  	_ =	shalt  }
0x7d: {  	_ =	shalt  }
0x7e: {  	_ =	shalt  }
0x7f: {  	_ =	shalt  }
0x80: {  	_ =	shalt  }
0x81: {  	_ =	shalt  }
0x82: {  	_ =	shalt  }
0x83: {  	_ =	shalt  }
0x84: {  	_ =	shalt  }
0x85: {  	_ =	shalt  }
0x86: {  	_ =	shalt  }
0x87: {  	_ =	shalt  }
.Lfunc_end0:
.L_simem_size_0:
called_computation.2_lowered:
.L_overlay_start_0:
0x88: {  	s2 =	sld [smem:$0x3FD9]  }
0x89: {  	s3 =	sld [smem:$0x3FFE];
	_ =	sdelay $0x1  }
0x8a: {  	s1 =	srdreg.scid  }
0x8b: {  	s0 =	sand.u32 $0x1, s1  }
0x8c: {  	s16 =	sshll.u32 s0, $0xA;
	s2 =	sadd.s32 s3, s2  }
0x8d: {  	s2 =	sadd.s32 s2, s16  }
0x8e: {  	[smem:$0x3FA7] =	sst s2  }
0x8f: {  	_ = 	snop  }
0x90: {  	(tm) =	ssettm $0x1  }
0x91: {  	s17 =	sld [smem:$0x3FFB];
	_ =	sdelay $0x3  }
0x92: {  	_ =	strace s17  }
0x93: {  	s2 =	sld [smem:$0x3FFC];
	_ =	sdelay $0x3  }
0x94: {  	_ =	strace s2  }
0x95: {  	s2 =	sld [smem:$0x3FFD];
	_ =	sdelay $0x3  }
0x96: {  	_ =	strace s2  }
0x97: {  	_ =	strace $0x8FFFFFFF  }
0x98: {  	s18 =	sld [smem:$0x3FDB];
	_ =	sdelay $0x1  }
0x99: {  	s19 =	simm.s32 $_scs_section_size  }
0x9a: {  	s4 =	simm.s32 $_size__tile_overlayer_lowered;
	s5 =	simm.s32 $_tile_overlayer_lowered  }
0x9b: {  	s22 =	simm.s32 $0x1BFF;
	s21 =	sshll.u32 s5, $0x1;
	s2 =	sadd.s32 s19, s18  }
0x9c: {  	s6 =	simm.s32 $0x0;
	s20 =	sshll.u32 s4, $0x1;
	s4 =	sadd.s32 s21, s2  }
0x9d: {  	[timem:s6], [sflag:s22] =	dma.local [hbm:s4], s20  }
0x9e: {  	_ =	swait.ge [sflag:s22], s20  }
0x9f: {  	s3 =	ssub.s32 $0x0, s20;
	[sflag:s22] =	ssyncset.done $0x0  }
0xa0: {  	[sflag:s22] =	ssyncadd.s32 s3;
	_ =	sdelay $0x1  }
0xa1: {  	s23 =	simm.s32 $0x1B8B  }
0xa2: {  	_ =	swait.ge [sflag:s23], $0x1  }
0xa3: {  	[sflag:s23] =	ssyncset.done $0x0  }
0xa4: {  	s25 =	simm.s32 $0x1B8E;
	s24 =	sld [smem:$0x3FFE];
	[sflag:s23] =	ssyncadd.s32 $0xFFFFFFFF  }
0xa5: {  	s26 =	simm.s32 $execute0_lowered;
	[smem:$0x3FD2] =	sst s25  }
0xa6: {  	s4 =	sshll.u32 s26, $0x1;
	_ =	strace $0x8000004C;
	[dreg:$0x1] =	wrdreg $0xFFFFFFFF  }
0xa7: {  	s28 =	simm.s32 $_size_execute0_lowered;
	s2 =	sadd.s32 s2, s4;
	[dreg:$0x0] =	wrdreg $0x0  }
0xa8: {  	s4 =	sshll.u32 s28, $0x1;
	[dreg:$0x2] =	wrdreg s2  }
0xa9: {  	[dreg:$0x3] =	wrdreg s4  }
0xaa: {  	[dreg:$0x4] =	wrdreg $0xC0  }
0xab: {  	_ =	task [dreg:s6], $0x5FFFF  }
0xac: {  	[dreg:$0x1] =	wrdreg $0xFFFFFFFF  }
0xad: {  	[dreg:$0x0] =	wrdreg $0x60  }
0xae: {  	[dreg:$0x2] =	wrdreg s24  }
0xaf: {  	[dreg:$0x3] =	wrdreg $0x9  }
0xb0: {  	_ =	task.clear_ibuf [dreg:s6], $0x4FFFF;
	_ =	strace $0x9000004C  }
0xb1: {  	s29 =	simm.s32 $0x9;
	_ =	strace $0x8000004E  }
0xb2: {  	_ =	swait.ge [sflag:s29], $0x1  }
0xb3: {  	[sflag:s29] =	ssyncadd.s32 $0xFFFFFFFF  }
0xb4: {  	_ =	strace $0x9000004E  }
0xb5: {  	_ =	sfence  }
0xb6: {  	s30 =	sld [smem:$0x0];
	_ =	sdelay $0x2  }
0xb7: {  	s31 =	sshll.u32 s1, $0xD;
	s1 =	sshrl.u32 s1, $0x2  }
0xb8: {  	s3 =	sand.u32 $0x4000, s31;
	s1 =	sadd.s32 s1, s30  }
0xb9: {  	s0 =	sor.u32 s3, s0;
	s1 =	sshll.u32 s1, $0x11  }
0xba: {  	s0 =	sor.u32 s1, s0  }
0xbb: {  	s0 =	sadd.s32 $0x8F2B, s0  }
0xbc: {  	[sflag:s0] =	ssyncadd.remote.s32 $0x1  }
0xbd: {  	_ =	sfence.sel $0xFFFF  }
0xbe: {  	[dreg:$0x0] =	wrdreg $0xFFFFFFFF;
	(pc) =	sbr.abs _section_cstart, $3  }
0xbf: {  	[dreg:$0x1] =	wrdreg $0xFFFFFFFF  }
0xc0: {  	_ =	task.clear_ibuf [dreg:s6], $0x2FFFF;
	_ =	strace $0x9FFFFFFF  }
0xc1: {  	(tm) =	ssettm $0x7FFFFFFF  }
tec
execute0_lowered:
.L_overlay_start_1:
0x0: {  	(tag) =	ssettag $0x1  }
0x1: {  	s4 =	rddreg [dreg:$0x0]  }
0x2: {  	s0 =	rddreg [dreg:$0x1];
	s1 =	simm.s32 $0x0;
	s5 =	srdreg.scid  }
0x3: {  	s2 =	stileid.u32;
	[smem:$0x7FF] =	sst s1  }
0x4: {  	s3 =	sadd.s32 $0x6C00, s4;
	s5 =	sand.u32 $0x1, s5;
	s6 =	sshll.u32 s2, $0x5  }
0x5: {  	s7 =	sshll.u32 s2, $0xC;
	_ =	strace $0x8000004D;
	s8 =	ssub.s32 $0x2, s5  }
0x6: {  	s6 =	sadd.s32 s6, s4;
	s7 =	sadd.s32 s7, s4;
	s9 =	sshll.u32 s5, $0xB  }
0x7: {  	s5 =	sshll.u32 s5, $0x4;
	s4 =	sshll.u32 s2, $0x1;
	s30 =	sshrl.u32 s8, $0x1  }
0x8: {  	s7 =	sadd.s32 s9, s7;
	s31 =	sadd.s32 s5, s6;
	s8 =	ssub.s32 s8, s30  }
0x9: {  	s6 =	sadd.s32 $0x5EE00, s7;
	s7 =	sadd.s32 $0x59E00, s31;
	s5 =	smax.u32 s8, $0x1  }
.LBB2_1:
0xa: {  	s8 =	sadd.s32 $0x0, s4  }
0xb: {  	p0 =	sgt.u32 s8, $0x4E1  }
0xc: {  	s8 =	simm.s32 @!p0 $0x0;
	s9 =	simm.s32 @!p0 $0x3  }
0xd: {  	[tilespmem:s8], [sflag:$0x3] =	stream.linear.gather @!p0 [hbm4b:s7+s8], $0x80, $0x38;
	[tilespmem:$0x4080] =	vst v63  }
0xe: {  	_ =	swait.ge @!p0 [sflag:s9], $0x80  }
0xf: {  	[sflag:s9] =	ssyncset.done @!p0 $0x0;
	p0 =	por p0, p0  }
0x10: {  	[sflag:s9] =	ssyncadd.s32 @!p0 $0xFFFFFF80;
	s10 =	simm.s32 @!p0 $0x80;
	s11 =	simm.s32 @!p0 $0x1  }
0x11: {  	[tilespmem:s10], [sflag:$0x1] =	stream.indirect.gather @!p0 [hbm4b:s3+s10], $0x80, s8, s10, $0xb8;
	[tilespmem:$0x4080] =	vst v63  }
0x12: {  	_ =	swait.ge @!p0 [sflag:s11], $0x4000  }
0x13: {  	[sflag:s11] =	ssyncset.done @!p0 $0x0  }
0x14: {  	s31 =	sadd.s32 $0x20, s4;
	[sflag:s11] =	ssyncadd.s32 @!p0 $0xFFFFC000;
	s11 =	simm.s32 @!p0 $0x2  }
0x15: {  	[hbm4b:s6+s8] =	stream.linear.scatter @!p0 [tilespmem:s10], [sflag:$0x2], $0x4000, $0x38;
	[tilespmem:$0x4080] =	vst v63  }
0x16: {  	p1 =	sgt.u32 s31, $0x4E1;
	s9 =	simm.s32 $0x40;
	_ =	swait.ge @!p0 [sflag:s11], $0x4000  }
0x17: {  	s10 =	sadd.s32 $0x200, s7;
	s8 =	sadd.s32 $0x10000, s6;
	[sflag:s11] =	ssyncset.done @!p0 $0x0  }
.LBB2_2:
0x18: {  	s12 =	simm.s32 @!p1 $0x0;
	s13 =	simm.s32 @!p1 $0x3;
	[sflag:s11] =	ssyncadd.s32 @!p0 $0xFFFFC000  }
0x19: {  	[tilespmem:s12], [sflag:$0x3] =	stream.linear.gather @!p1 [hbm4b:s10+s12], $0x80, $0x38;
	[tilespmem:$0x4080] =	vst v63  }
0x1a: {  	s14 =	smov.u32 s9;
	s9 =	sadd.s32 $0x20, s9;
	_ =	swait.ge @!p1 [sflag:s13], $0x80  }
0x1b: {  	p0 =	por p1, p1;
	p2 =	sne.s32 s9, $0x500;
	[sflag:s13] =	ssyncset.done @!p1 $0x0  }
0x1c: {  	s11 =	simm.s32 @!p0 $0x1;
	[sflag:s13] =	ssyncadd.s32 @!p0 $0xFFFFFF80;
	s13 =	simm.s32 @!p0 $0x80  }
0x1d: {  	[tilespmem:s13], [sflag:$0x1] =	stream.indirect.gather @!p0 [hbm4b:s3+s13], $0x80, s12, s13, $0xb8;
	[tilespmem:$0x4080] =	vst v63  }
0x1e: {  	_ =	swait.ge @!p0 [sflag:s11], $0x4000  }
.Ltmp0:
0x1f: {  	[sflag:s11] =	ssyncset.done @!p0 $0x0;
	(pc) =	sbr.rel @p2 .LBB2_2-.Ltmp0, $4  }
0x20: {  	[sflag:s11] =	ssyncadd.s32 @!p0 $0xFFFFC000;
	s11 =	simm.s32 @!p0 $0x2  }
0x21: {  	[hbm4b:s8+s12] =	stream.linear.scatter @!p0 [tilespmem:s13], [sflag:$0x2], $0x4000, $0x38;
	[tilespmem:$0x4080] =	vst v63  }
0x22: {  	s10 =	sadd.s32 $0x200, s10;
	s12 =	sadd.s32 s14, s4;
	_ =	swait.ge @!p0 [sflag:s11], $0x4000  }
0x23: {  	s8 =	sadd.s32 $0x10000, s8;
	p1 =	sgt.u32 s12, $0x4E1;
	[sflag:s11] =	ssyncset.done @!p0 $0x0  }
0x24: {  	s9 =	simm.s32 @!p1 $0x0;
	s12 =	simm.s32 @!p1 $0x3;
	[sflag:s11] =	ssyncadd.s32 @!p0 $0xFFFFC000  }
0x25: {  	[tilespmem:s9], [sflag:$0x3] =	stream.linear.gather @!p1 [hbm4b:s10+s9], $0x80, $0x38;
	[tilespmem:$0x4080] =	vst v63  }
0x26: {  	_ =	swait.ge @!p1 [sflag:s12], $0x80  }
0x27: {  	p0 =	por p1, p1;
	[sflag:s12] =	ssyncset.done @!p1 $0x0  }
0x28: {  	s10 =	simm.s32 @!p0 $0x80;
	s11 =	simm.s32 @!p0 $0x1;
	[sflag:s12] =	ssyncadd.s32 @!p0 $0xFFFFFF80  }
0x29: {  	[tilespmem:s10], [sflag:$0x1] =	stream.indirect.gather @!p0 [hbm4b:s3+s10], $0x80, s9, s10, $0xb8;
	[tilespmem:$0x4080] =	vst v63  }
0x2a: {  	s1 =	sadd.s32 $0x1, s1;
	_ =	swait.ge @!p0 [sflag:s11], $0x4000  }
0x2b: {  	p1 =	sne.s32 s1, s5;
	[sflag:s11] =	ssyncset.done @!p0 $0x0  }
.Ltmp1:
0x2c: {  	[sflag:s11] =	ssyncadd.s32 @!p0 $0xFFFFC000;
	s11 =	simm.s32 @!p0 $0x2;
	(pc) =	sbr.rel @p1 .LBB2_1-.Ltmp1, $4  }
0x2d: {  	[hbm4b:s8+s9] =	stream.linear.scatter @!p0 [tilespmem:s10], [sflag:$0x2], $0x4000, $0x38;
	[tilespmem:$0x4080] =	vst v63  }
0x2e: {  	_ =	swait.ge @!p0 [sflag:s11], $0x4000  }
0x2f: {  	[sflag:s11] =	ssyncset.done @!p0 $0x0  }
0x30: {  	[sflag:s11] =	ssyncadd.s32 @!p0 $0xFFFFC000  }
0x31: {  	_ =	sfence.sel $0x180000  }
0x32: {  	[bflag:$0x0] =	sbarrier.arrive $0xFFFF  }
0x33: {  	p0 =	sne.s32 s2, $0x0;
	_ =	strace $0x9000004D  }
0x34: {  	s0 =	sadd.s32 @!p0 $0x100000, s0;
	[bflag:$0x2] =	sbarrier.arrive $0xFFFF  }
0x35: {  	[sflag:s0] =	ssyncadd.tile.s32 @!p0 $0x1;
	_ =	shalt  }
.Lfunc_end2:
_tile_overlayer_lowered:
.L_overlay_start_2:
0x36: {  	(tag) =	ssettag $0x2  }
0x37: {  	s0 =	rddreg [dreg:$0x0];
	s2 =	stileid.u32  }
0x38: {  	s1 =	rddreg [dreg:$0x1];
	p0 =	sne.s32 s2, $0x0  }
0x39: {  	s3 =	rddreg [dreg:$0x2];
	[bflag:$0x3] =	sbarrier.arrive $0xFFFF;
	s2 =	simm.s32 @!p0 $0x1C02  }
0x3a: {  	[timem:s3], [sflag:s2] =	dma.local @!p0 [hbm:s0], s1  }
0x3b: {  	s0 =	simm.s32 @!p0 $0x2  }
0x3c: {  	_ =	swait.ge @!p0 [sflag:s0], s1  }
0x3d: {  	s1 =	ssub.s32 @!p0 $0x0, s1;
	[sflag:s0] =	ssyncset.done @!p0 $0x0  }
0x3e: {  	[sflag:s0] =	ssyncadd.s32 @!p0 s1  }
0x3f: {  	[bflag:$0x3] =	sbarrier.arrive $0xFFFF  }
0x40: {  	_ =	shalt  }

// kernel: kernel.22.cloned.1.call-start
scs
__scs_entry_jumppad:
0x0: {  	(pc) =	sbr.rel $0x88, $3  }
0x1: {  	(tag) =	ssettag $0x0;
	lr =	simm.s32 $0x1  }
0x2: {  	[smem:$0x3F80] =	sst lr;
	_ =	strace $0xD0000000  }
0x3: {  	_ = 	snop  }
0x4: {  	_ = 	snop  }
0x5: {  	_ = 	snop  }
0x6: {  	_ = 	snop  }
0x7: {  	_ = 	snop  }
__scs_overlays_trampoline_lowered:
0x8: {  	[smem:$0x3F8F] =	sst s0  }
0x9: {  	[smem:$0x3F90] =	sst s1  }
0xa: {  	[smem:$0x3F91] =	sst s2  }
0xb: {  	[smem:$0x3F92] =	sst s3  }
0xc: {  	[smem:$0x3F93] =	sst s4  }
0xd: {  	[smem:$0x3F94] =	sst s5  }
0xe: {  	[smem:$0x3F95] =	sst s6  }
0xf: {  	[smem:$0x3F96] =	sst s7  }
0x10: {  	[smem:$0x3F97] =	sst s8  }
0x11: {  	[smem:$0x3F98] =	sst s9;
	s0 =	simm.s32 @!p0 $0x0  }
0x12: {  	s1 =	sld [smem:$0x3F7E];
	s0 =	simm.s32 @p0 $0x1  }
0x13: {  	[smem:$0x3F99] =	sst s0;
	s0 =	simm.s32 @!p1 $0x0  }
0x14: {  	s2 =	sld [smem:$0x3F7D];
	s0 =	simm.s32 @p1 $0x1  }
0x15: {  	[smem:$0x3F9A] =	sst s0;
	s0 =	simm.s32 @!p2 $0x0  }
0x16: {  	s3 =	sld [smem:$0x3FDB];
	s0 =	simm.s32 @p2 $0x1  }
0x17: {  	s4 =	simm.s32 $0x1BF5;
	[smem:$0x3F9C] =	sst s0  }
0x18: {  	s0 =	sld [smem:$0x3F7F];
	_ =	swait.ge [sflag:s4], $0x0  }
0x19: {  	s7 =	sld [smem:$0x3F80]  }
0x1a: {  	s8 =	sadd.s32 $0xFFFFE003, lr  }
0x1b: {  	s9 =	sadd.s32 $0xFFFFFEF7, lr;
	s5 =	simm.s32 $0xFFFFFFFF;
	p2 =	slt.u32 s8, $0xFFFFF086  }
0x1c: {  	p1 =	slt.u32 s9, $0xF7A;
	s5 =	simm.s32 @!p2 $0x0  }
0x1d: {  	s5 =	simm.s32 @p1 $0x1;
	p0 =	seq.s32 s7, s2  }
0x1e: {  	s7 =	smul.u32 @!p0 $0xF7A, s2;
	p2 =	seq.s32 @!p0 s5, $0x0  }
0x1f: {  	s9 =	smul.u32 $0xF7A, s1;
	s8 =	simm.s32 @!p0 $0x1BF5;
	p2 =	por !p2, p0  }
0x20: {  	[sflag:s8] =	ssyncset.s32 @!p0 $0xFFFFF086;
	s6 =	sadd.s32 @!p0 s3, s7;
	s7 =	simm.s32 @!p0 $0x108  }
0x21: {  	s3 =	sadd.s32 s3, s9;
	s6 =	sadd.s32 @!p0 $0x88, s6;
	s7 =	simm.s32 @p2 $0x1082  }
0x22: {  	[simem:s7], [sflag:s8] =	dma.local @!p0 [hbm:s6], $0xF7A  }
0x23: {  	s9 =	sor.u32 $0xD0000000, s2;
	s6 =	simm.s32 $0x108;
	_ =	swait.ge @!p0 [sflag:s8], $0x0  }
0x24: {  	s3 =	sadd.s32 $0x88, s3;
	s6 =	simm.s32 @!p1 $0x1082;
	[sflag:s4] =	ssyncset.s32 $0xFFFFF086  }
0x25: {  	[simem:s6], [sflag:s4] =	dma.local [hbm:s3], $0xF7A  }
0x26: {  	[smem:$0x3F80] =	sst s1;
	(tag) =	ssettag s2;
	_ =	strace s9  }
0x27: {  	s1 =	sld [smem:$0x3F90]  }
0x28: {  	s2 =	sld [smem:$0x3F91]  }
0x29: {  	s4 =	sld [smem:$0x3F93]  }
0x2a: {  	p0 =	seq.s32 s5, $0x0;
	s5 =	sld [smem:$0x3F94]  }
0x2b: {  	s6 =	sld [smem:$0x3F95]  }
0x2c: {  	s7 =	sld [smem:$0x3F96]  }
0x2d: {  	s3 =	simm.s32 $0x108;
	s8 =	sld [smem:$0x3F97]  }
0x2e: {  	s3 =	simm.s32 @!p0 $0x1082;
	s9 =	sld [smem:$0x3F98]  }
0x2f: {  	lr =	sadd.s32 s0, s3;
	s0 =	sld [smem:$0x3F8F]  }
0x30: {  	s3 =	sld [smem:$0x3F92]  }
0x31: {  	[smem:$0x3F9B] =	sst s10  }
0x32: {  	s10 =	sld [smem:$0x3F99];
	_ =	sdelay $0x3  }
0x33: {  	p0 =	seq.s32 s10, $0x1;
	s10 =	sld [smem:$0x3F9B];
	_ =	sdelay $0x3  }
0x34: {  	[smem:$0x3F9B] =	sst s10  }
0x35: {  	s10 =	sld [smem:$0x3F9A];
	_ =	sdelay $0x3  }
0x36: {  	p1 =	seq.s32 s10, $0x1;
	s10 =	sld [smem:$0x3F9B];
	_ =	sdelay $0x3  }
0x37: {  	[smem:$0x3F9B] =	sst s10  }
0x38: {  	s10 =	sld [smem:$0x3F9C]  }
0x39: {  	_ = 	snop;
	(pc) =	sbr.ind lr, $3  }
0x3a: {  	_ = 	snop  }
0x3b: {  	_ = 	snop  }
0x3c: {  	p2 =	seq.s32 s10, $0x1;
	s10 =	sld [smem:$0x3F9B]  }
0x3d: {  	_ =	shalt  }
0x3e: {  	_ =	shalt  }
0x3f: {  	_ =	shalt  }
0x40: {  	_ =	shalt  }
0x41: {  	_ =	shalt  }
0x42: {  	_ =	shalt  }
0x43: {  	_ =	shalt  }
0x44: {  	_ =	shalt  }
0x45: {  	_ =	shalt  }
0x46: {  	_ =	shalt  }
0x47: {  	_ =	shalt  }
0x48: {  	_ =	shalt  }
0x49: {  	_ =	shalt  }
0x4a: {  	_ =	shalt  }
0x4b: {  	_ =	shalt  }
0x4c: {  	_ =	shalt  }
0x4d: {  	_ =	shalt  }
0x4e: {  	_ =	shalt  }
0x4f: {  	_ =	shalt  }
0x50: {  	_ =	shalt  }
0x51: {  	_ =	shalt  }
0x52: {  	_ =	shalt  }
0x53: {  	_ =	shalt  }
0x54: {  	_ =	shalt  }
0x55: {  	_ =	shalt  }
0x56: {  	_ =	shalt  }
0x57: {  	_ =	shalt  }
0x58: {  	_ =	shalt  }
0x59: {  	_ =	shalt  }
0x5a: {  	_ =	shalt  }
0x5b: {  	_ =	shalt  }
0x5c: {  	_ =	shalt  }
0x5d: {  	_ =	shalt  }
0x5e: {  	_ =	shalt  }
0x5f: {  	_ =	shalt  }
0x60: {  	_ =	shalt  }
0x61: {  	_ =	shalt  }
0x62: {  	_ =	shalt  }
0x63: {  	_ =	shalt  }
0x64: {  	_ =	shalt  }
0x65: {  	_ =	shalt  }
0x66: {  	_ =	shalt  }
0x67: {  	_ =	shalt  }
0x68: {  	_ =	shalt  }
0x69: {  	_ =	shalt  }
0x6a: {  	_ =	shalt  }
0x6b: {  	_ =	shalt  }
0x6c: {  	_ =	shalt  }
0x6d: {  	_ =	shalt  }
0x6e: {  	_ =	shalt  }
0x6f: {  	_ =	shalt  }
0x70: {  	_ =	shalt  }
0x71: {  	_ =	shalt  }
0x72: {  	_ =	shalt  }
0x73: {  	_ =	shalt  }
0x74: {  	_ =	shalt  }
0x75: {  	_ =	shalt  }
0x76: {  	_ =	shalt  }
0x77: {  	_ =	shalt  }
0x78: {  	_ =	shalt  }
0x79: {  	_ =	shalt  }
0x7a: {  	_ =	shalt  }
0x7b: {  	_ =	shalt  }
0x7c: {  	_ =	shalt  }
0x7d: {  	_ =	shalt  }
0x7e: {  	_ =	shalt  }
0x7f: {  	_ =	shalt  }
0x80: {  	_ =	shalt  }
0x81: {  	_ =	shalt  }
0x82: {  	_ =	shalt  }
0x83: {  	_ =	shalt  }
0x84: {  	_ =	shalt  }
0x85: {  	_ =	shalt  }
0x86: {  	_ =	shalt  }
0x87: {  	_ =	shalt  }
.Lfunc_end0:
.L_simem_size_0:
called_computation.3_lowered:
.L_overlay_start_0:
0x88: {  	s2 =	sld [smem:$0x3FD9]  }
0x89: {  	s3 =	sld [smem:$0x3FFE];
	_ =	sdelay $0x1  }
0x8a: {  	s1 =	srdreg.scid  }
0x8b: {  	s0 =	sand.u32 $0x1, s1  }
0x8c: {  	s16 =	sshll.u32 s0, $0xA;
	s2 =	sadd.s32 s3, s2  }
0x8d: {  	s2 =	sadd.s32 s2, s16  }
0x8e: {  	[smem:$0x3FA7] =	sst s2  }
0x8f: {  	_ = 	snop  }
0x90: {  	(tm) =	ssettm $0x1  }
0x91: {  	s17 =	sld [smem:$0x3FFB];
	_ =	sdelay $0x3  }
0x92: {  	_ =	strace s17  }
0x93: {  	s2 =	sld [smem:$0x3FFC];
	_ =	sdelay $0x3  }
0x94: {  	_ =	strace s2  }
0x95: {  	s2 =	sld [smem:$0x3FFD];
	_ =	sdelay $0x3  }
0x96: {  	_ =	strace s2  }
0x97: {  	_ =	strace $0x8FFFFFFF  }
0x98: {  	s18 =	sld [smem:$0x3FDB];
	_ =	sdelay $0x1  }
0x99: {  	s19 =	simm.s32 $_scs_section_size  }
0x9a: {  	s4 =	simm.s32 $_size__tile_overlayer_lowered;
	s5 =	simm.s32 $_tile_overlayer_lowered  }
0x9b: {  	s22 =	simm.s32 $0x1BFF;
	s21 =	sshll.u32 s5, $0x1;
	s2 =	sadd.s32 s19, s18  }
0x9c: {  	s6 =	simm.s32 $0x0;
	s20 =	sshll.u32 s4, $0x1;
	s4 =	sadd.s32 s21, s2  }
0x9d: {  	[timem:s6], [sflag:s22] =	dma.local [hbm:s4], s20  }
0x9e: {  	_ =	swait.ge [sflag:s22], s20  }
0x9f: {  	s3 =	ssub.s32 $0x0, s20;
	[sflag:s22] =	ssyncset.done $0x0  }
0xa0: {  	[sflag:s22] =	ssyncadd.s32 s3;
	_ =	sdelay $0x1  }
0xa1: {  	s23 =	simm.s32 $0x1B8B  }
0xa2: {  	_ =	swait.ge [sflag:s23], $0x1  }
0xa3: {  	[sflag:s23] =	ssyncset.done $0x0  }
0xa4: {  	s25 =	simm.s32 $0x1B8E;
	s24 =	sld [smem:$0x3FFE];
	[sflag:s23] =	ssyncadd.s32 $0xFFFFFFFF  }
0xa5: {  	s26 =	simm.s32 $execute0_lowered;
	[smem:$0x3FD2] =	sst s25  }
0xa6: {  	s4 =	sshll.u32 s26, $0x1;
	_ =	strace $0x8000004F;
	[dreg:$0x1] =	wrdreg $0xFFFFFFFF  }
0xa7: {  	s28 =	simm.s32 $_size_execute0_lowered;
	s2 =	sadd.s32 s2, s4;
	[dreg:$0x0] =	wrdreg $0x0  }
0xa8: {  	s4 =	sshll.u32 s28, $0x1;
	[dreg:$0x2] =	wrdreg s2  }
0xa9: {  	[dreg:$0x3] =	wrdreg s4  }
0xaa: {  	[dreg:$0x4] =	wrdreg $0xC0  }
0xab: {  	_ =	task [dreg:s6], $0x5FFFF  }
0xac: {  	[dreg:$0x1] =	wrdreg $0xFFFFFFFF  }
0xad: {  	[dreg:$0x0] =	wrdreg $0x60  }
0xae: {  	[dreg:$0x2] =	wrdreg s24  }
0xaf: {  	[dreg:$0x3] =	wrdreg $0x9  }
0xb0: {  	_ =	task.clear_ibuf [dreg:s6], $0x4FFFF;
	_ =	strace $0x9000004F  }
0xb1: {  	s29 =	simm.s32 $0x9;
	_ =	strace $0x80000051  }
0xb2: {  	_ =	swait.ge [sflag:s29], $0x1  }
0xb3: {  	[sflag:s29] =	ssyncadd.s32 $0xFFFFFFFF  }
0xb4: {  	_ =	strace $0x90000051  }
0xb5: {  	_ =	sfence  }
0xb6: {  	s30 =	sld [smem:$0x0];
	_ =	sdelay $0x2  }
0xb7: {  	s31 =	sshll.u32 s1, $0xD;
	s1 =	sshrl.u32 s1, $0x2  }
0xb8: {  	s3 =	sand.u32 $0x4000, s31;
	s1 =	sadd.s32 s1, s30  }
0xb9: {  	s0 =	sor.u32 s3, s0;
	s1 =	sshll.u32 s1, $0x11  }
0xba: {  	s0 =	sor.u32 s1, s0  }
0xbb: {  	s0 =	sadd.s32 $0x8F2B, s0  }
0xbc: {  	[sflag:s0] =	ssyncadd.remote.s32 $0x1  }
0xbd: {  	_ =	sfence.sel $0xFFFF  }
0xbe: {  	[dreg:$0x0] =	wrdreg $0xFFFFFFFF;
	(pc) =	sbr.abs _section_cstart, $3  }
0xbf: {  	[dreg:$0x1] =	wrdreg $0xFFFFFFFF  }
0xc0: {  	_ =	task.clear_ibuf [dreg:s6], $0x2FFFF;
	_ =	strace $0x9FFFFFFF  }
0xc1: {  	(tm) =	ssettm $0x7FFFFFFF  }
tec
execute0_lowered:
.L_overlay_start_1:
0x0: {  	(tag) =	ssettag $0x1  }
0x1: {  	s4 =	rddreg [dreg:$0x0]  }
0x2: {  	s0 =	rddreg [dreg:$0x1];
	s1 =	simm.s32 $0x0;
	s5 =	srdreg.scid  }
0x3: {  	s2 =	stileid.u32;
	[smem:$0x7FF] =	sst s1  }
0x4: {  	s3 =	sadd.s32 $0x6C00, s4;
	s5 =	sand.u32 $0x1, s5;
	s6 =	sshll.u32 s2, $0x5  }
0x5: {  	s7 =	sshll.u32 s2, $0xC;
	_ =	strace $0x80000050;
	s8 =	ssub.s32 $0x2, s5  }
0x6: {  	s6 =	sadd.s32 s6, s4;
	s7 =	sadd.s32 s7, s4;
	s9 =	sshll.u32 s5, $0xB  }
0x7: {  	s5 =	sshll.u32 s5, $0x4;
	s4 =	sshll.u32 s2, $0x1;
	s30 =	sshrl.u32 s8, $0x1  }
0x8: {  	s7 =	sadd.s32 s9, s7;
	s31 =	sadd.s32 s5, s6;
	s8 =	ssub.s32 s8, s30  }
0x9: {  	s6 =	sadd.s32 $0x5EE00, s7;
	s7 =	sadd.s32 $0x59E00, s31;
	s5 =	smax.u32 s8, $0x1  }
.LBB2_1:
0xa: {  	s8 =	sadd.s32 $0x0, s4  }
0xb: {  	p0 =	sgt.u32 s8, $0x4E1  }
0xc: {  	s8 =	simm.s32 @!p0 $0x0;
	s9 =	simm.s32 @!p0 $0x3  }
0xd: {  	[tilespmem:s8], [sflag:$0x3] =	stream.linear.gather @!p0 [hbm4b:s7+s8], $0x80, $0x38;
	[tilespmem:$0x4080] =	vst v63  }
0xe: {  	_ =	swait.ge @!p0 [sflag:s9], $0x80  }
0xf: {  	[sflag:s9] =	ssyncset.done @!p0 $0x0;
	p0 =	por p0, p0  }
0x10: {  	[sflag:s9] =	ssyncadd.s32 @!p0 $0xFFFFFF80;
	s10 =	simm.s32 @!p0 $0x80;
	s11 =	simm.s32 @!p0 $0x1  }
0x11: {  	[tilespmem:s10], [sflag:$0x1] =	stream.indirect.gather @!p0 [hbm4b:s3+s10], $0x80, s8, s10, $0xb8;
	[tilespmem:$0x4080] =	vst v63  }
0x12: {  	_ =	swait.ge @!p0 [sflag:s11], $0x4000  }
0x13: {  	[sflag:s11] =	ssyncset.done @!p0 $0x0  }
0x14: {  	s31 =	sadd.s32 $0x20, s4;
	[sflag:s11] =	ssyncadd.s32 @!p0 $0xFFFFC000;
	s11 =	simm.s32 @!p0 $0x2  }
0x15: {  	[hbm4b:s6+s8] =	stream.linear.scatter @!p0 [tilespmem:s10], [sflag:$0x2], $0x4000, $0x38;
	[tilespmem:$0x4080] =	vst v63  }
0x16: {  	p1 =	sgt.u32 s31, $0x4E1;
	s9 =	simm.s32 $0x40;
	_ =	swait.ge @!p0 [sflag:s11], $0x4000  }
0x17: {  	s10 =	sadd.s32 $0x200, s7;
	s8 =	sadd.s32 $0x10000, s6;
	[sflag:s11] =	ssyncset.done @!p0 $0x0  }
.LBB2_2:
0x18: {  	s12 =	simm.s32 @!p1 $0x0;
	s13 =	simm.s32 @!p1 $0x3;
	[sflag:s11] =	ssyncadd.s32 @!p0 $0xFFFFC000  }
0x19: {  	[tilespmem:s12], [sflag:$0x3] =	stream.linear.gather @!p1 [hbm4b:s10+s12], $0x80, $0x38;
	[tilespmem:$0x4080] =	vst v63  }
0x1a: {  	s14 =	smov.u32 s9;
	s9 =	sadd.s32 $0x20, s9;
	_ =	swait.ge @!p1 [sflag:s13], $0x80  }
0x1b: {  	p0 =	por p1, p1;
	p2 =	sne.s32 s9, $0x500;
	[sflag:s13] =	ssyncset.done @!p1 $0x0  }
0x1c: {  	s11 =	simm.s32 @!p0 $0x1;
	[sflag:s13] =	ssyncadd.s32 @!p0 $0xFFFFFF80;
	s13 =	simm.s32 @!p0 $0x80  }
0x1d: {  	[tilespmem:s13], [sflag:$0x1] =	stream.indirect.gather @!p0 [hbm4b:s3+s13], $0x80, s12, s13, $0xb8;
	[tilespmem:$0x4080] =	vst v63  }
0x1e: {  	_ =	swait.ge @!p0 [sflag:s11], $0x4000  }
.Ltmp0:
0x1f: {  	[sflag:s11] =	ssyncset.done @!p0 $0x0;
	(pc) =	sbr.rel @p2 .LBB2_2-.Ltmp0, $4  }
0x20: {  	[sflag:s11] =	ssyncadd.s32 @!p0 $0xFFFFC000;
	s11 =	simm.s32 @!p0 $0x2  }
0x21: {  	[hbm4b:s8+s12] =	stream.linear.scatter @!p0 [tilespmem:s13], [sflag:$0x2], $0x4000, $0x38;
	[tilespmem:$0x4080] =	vst v63  }
0x22: {  	s10 =	sadd.s32 $0x200, s10;
	s12 =	sadd.s32 s14, s4;
	_ =	swait.ge @!p0 [sflag:s11], $0x4000  }
0x23: {  	s8 =	sadd.s32 $0x10000, s8;
	p1 =	sgt.u32 s12, $0x4E1;
	[sflag:s11] =	ssyncset.done @!p0 $0x0  }
0x24: {  	s9 =	simm.s32 @!p1 $0x0;
	s12 =	simm.s32 @!p1 $0x3;
	[sflag:s11] =	ssyncadd.s32 @!p0 $0xFFFFC000  }
0x25: {  	[tilespmem:s9], [sflag:$0x3] =	stream.linear.gather @!p1 [hbm4b:s10+s9], $0x80, $0x38;
	[tilespmem:$0x4080] =	vst v63  }
0x26: {  	_ =	swait.ge @!p1 [sflag:s12], $0x80  }
0x27: {  	p0 =	por p1, p1;
	[sflag:s12] =	ssyncset.done @!p1 $0x0  }
0x28: {  	s10 =	simm.s32 @!p0 $0x80;
	s11 =	simm.s32 @!p0 $0x1;
	[sflag:s12] =	ssyncadd.s32 @!p0 $0xFFFFFF80  }
0x29: {  	[tilespmem:s10], [sflag:$0x1] =	stream.indirect.gather @!p0 [hbm4b:s3+s10], $0x80, s9, s10, $0xb8;
	[tilespmem:$0x4080] =	vst v63  }
0x2a: {  	s1 =	sadd.s32 $0x1, s1;
	_ =	swait.ge @!p0 [sflag:s11], $0x4000  }
0x2b: {  	p1 =	sne.s32 s1, s5;
	[sflag:s11] =	ssyncset.done @!p0 $0x0  }
.Ltmp1:
0x2c: {  	[sflag:s11] =	ssyncadd.s32 @!p0 $0xFFFFC000;
	s11 =	simm.s32 @!p0 $0x2;
	(pc) =	sbr.rel @p1 .LBB2_1-.Ltmp1, $4  }
0x2d: {  	[hbm4b:s8+s9] =	stream.linear.scatter @!p0 [tilespmem:s10], [sflag:$0x2], $0x4000, $0x38;
	[tilespmem:$0x4080] =	vst v63  }
0x2e: {  	_ =	swait.ge @!p0 [sflag:s11], $0x4000  }
0x2f: {  	[sflag:s11] =	ssyncset.done @!p0 $0x0  }
0x30: {  	[sflag:s11] =	ssyncadd.s32 @!p0 $0xFFFFC000  }
0x31: {  	_ =	sfence.sel $0x180000  }
0x32: {  	[bflag:$0x0] =	sbarrier.arrive $0xFFFF  }
0x33: {  	p0 =	sne.s32 s2, $0x0;
	_ =	strace $0x90000050  }
0x34: {  	s0 =	sadd.s32 @!p0 $0x100000, s0;
	[bflag:$0x2] =	sbarrier.arrive $0xFFFF  }
0x35: {  	[sflag:s0] =	ssyncadd.tile.s32 @!p0 $0x1;
	_ =	shalt  }
.Lfunc_end2:
_tile_overlayer_lowered:
.L_overlay_start_2:
0x36: {  	(tag) =	ssettag $0x2  }
0x37: {  	s0 =	rddreg [dreg:$0x0];
	s2 =	stileid.u32  }
0x38: {  	s1 =	rddreg [dreg:$0x1];
	p0 =	sne.s32 s2, $0x0  }
0x39: {  	s3 =	rddreg [dreg:$0x2];
	[bflag:$0x3] =	sbarrier.arrive $0xFFFF;
	s2 =	simm.s32 @!p0 $0x1C02  }
0x3a: {  	[timem:s3], [sflag:s2] =	dma.local @!p0 [hbm:s0], s1  }
0x3b: {  	s0 =	simm.s32 @!p0 $0x2  }
0x3c: {  	_ =	swait.ge @!p0 [sflag:s0], s1  }
0x3d: {  	s1 =	ssub.s32 @!p0 $0x0, s1;
	[sflag:s0] =	ssyncset.done @!p0 $0x0  }
0x3e: {  	[sflag:s0] =	ssyncadd.s32 @!p0 s1  }
0x3f: {  	[bflag:$0x3] =	sbarrier.arrive $0xFFFF  }
0x40: {  	_ =	shalt  }

</sc_bundles>
